<compile_context>
chip_gen: v7x
topology: tpu7x:2x2x1
jax: 0.10.2.dev20260603
libtpu: 0.0.44.dev20260713+nightly
codegen_flags: <defaults>
</compile_context>

<pallas_src>
import functools

import jax
import jax.numpy as jnp
from jax import lax
from jax.experimental import pallas as pl
from jax.experimental.pallas import tpu as pltpu
from jax.experimental.pallas import tpu_sc as plsc

N = 10000
D = 128
E = 320000
NC = 2
NS = 16
NW = NC * NS
EPT = E // NW
ECH = 125
NCH = EPT // ECH
ROWS_PER_TILE = 624
TAIL_ROWS = N - 15 * ROWS_PER_TILE

_mesh = functools.partial(
    plsc.VectorSubcoreMesh,
    core_axis_name="c",
    subcore_axis_name="s",
    num_cores=NC,
    num_subcores=NS,
)


def _degree_body(dst_hbm, zeros_hbm, out_hbm, idx_b, ones_v, deg_sh, ssem):
  c = lax.axis_index("c")
  s = lax.axis_index("s")
  w = c * NS + s

  def fill(i, carry):
    ones_v[i, :] = jnp.ones((16,), jnp.float32)
    return carry
  lax.fori_loop(0, ECH, fill, 0)

  pltpu.sync_copy(dst_hbm.at[w], idx_b)

  r0 = s * ROWS_PER_TILE
  pltpu.sync_copy(zeros_hbm.at[pl.ds(r0, ROWS_PER_TILE)],
                  deg_sh.at[pl.ds(r0, ROWS_PER_TILE)])

  @pl.when(s == NS - 1)
  def _():
    pltpu.sync_copy(zeros_hbm.at[pl.ds(N - TAIL_ROWS, TAIL_ROWS)],
                    deg_sh.at[pl.ds(N - TAIL_ROWS, TAIL_ROWS)])

  plsc.subcore_barrier()

  def fire(k, carry):
    pltpu.async_copy(ones_v, deg_sh.at[idx_b.at[k]], ssem, add=True)
    return carry
  lax.fori_loop(0, NCH, fire, 0)

  def drain(k, carry):
    pltpu.make_async_copy(ones_v, deg_sh.at[idx_b.at[0]], ssem).wait()
    return carry
  lax.fori_loop(0, NCH, drain, 0)

  plsc.subcore_barrier()

  pltpu.sync_copy(deg_sh.at[pl.ds(r0, ROWS_PER_TILE)],
                  out_hbm.at[pl.ds(c * N + r0, ROWS_PER_TILE)])

  @pl.when(s == NS - 1)
  def _():
    pltpu.sync_copy(deg_sh.at[pl.ds(N - TAIL_ROWS, TAIL_ROWS)],
                    out_hbm.at[pl.ds(c * N + N - TAIL_ROWS, TAIL_ROWS)])


_degree_sc = functools.partial(
    pl.kernel,
    out_type=jax.ShapeDtypeStruct((NC * N, 16), jnp.float32),
    mesh=_mesh(),
    scratch_types=[
        pltpu.VMEM((NCH, ECH), jnp.int32),
        pltpu.VMEM((ECH, 16), jnp.float32),
        pltpu.VMEM_SHARED((N, 16), jnp.float32),
        pltpu.SemaphoreType.DMA,
    ],
)(_degree_body)


def _agg_body(table_hbm, eidx_hbm, zeros_hbm, out_hbm,
              slot0, slot1, slot2, rows0, rows1, rows2, acc_sh,
              isem0, isem1, isem2, gsem0, gsem1, gsem2,
              ssem0, ssem1, ssem2):
  c = lax.axis_index("c")
  s = lax.axis_index("s")
  w = c * NS + s
  slots = (slot0, slot1, slot2)
  rows = (rows0, rows1, rows2)
  isems = (isem0, isem1, isem2)
  gsems = (gsem0, gsem1, gsem2)
  ssems = (ssem0, ssem1, ssem2)

  def start_idx(j, par):
    pltpu.async_copy(eidx_hbm.at[w, j], slots[par], isems[par])

  def wait_idx(par):
    pltpu.make_async_copy(eidx_hbm.at[w, 0], slots[par], isems[par]).wait()

  def start_gather(par):
    pltpu.async_copy(table_hbm.at[slots[par].at[0]], rows[par], gsems[par])

  def wait_gather(par):
    pltpu.make_async_copy(table_hbm.at[slots[par].at[0]], rows[par],
                          gsems[par]).wait()

  def start_scatter(par):
    pltpu.async_copy(rows[par], acc_sh.at[slots[par].at[1]], ssems[par],
                     add=True)

  def wait_scatter(par):
    pltpu.make_async_copy(rows[par], acc_sh.at[slots[par].at[1]],
                          ssems[par]).wait()

  start_idx(0, 0)
  start_idx(1, 1)

  r0 = s * ROWS_PER_TILE
  pltpu.sync_copy(zeros_hbm.at[pl.ds(r0, ROWS_PER_TILE)],
                  acc_sh.at[pl.ds(r0, ROWS_PER_TILE)])

  @pl.when(s == NS - 1)
  def _():
    pltpu.sync_copy(zeros_hbm.at[pl.ds(N - TAIL_ROWS, TAIL_ROWS)],
                    acc_sh.at[pl.ds(N - TAIL_ROWS, TAIL_ROWS)])

  plsc.subcore_barrier()

  wait_idx(0)
  start_gather(0)

  def emit(i, par, in_loop):
    p1 = (par + 1) % 3
    p2 = (par + 2) % 3
    wait_gather(par)
    if in_loop:
      @pl.when(i >= 1)
      def _():
        wait_scatter(p2)
      start_scatter(par)
      start_idx(i + 2, p2)
      wait_idx(p1)
      start_gather(p1)
    else:
      if i >= 1:
        wait_scatter(p2)
      start_scatter(par)
      if i + 2 < NCH:
        start_idx(i + 2, p2)
      if i + 1 < NCH:
        wait_idx(p1)
        start_gather(p1)

  def body(i3, carry):
    for par in range(3):
      emit(i3 * 3 + par, par, True)
    return carry
  lax.fori_loop(0, (NCH - 2) // 3, body, 0)
  for i in range(NCH - 2, NCH):
    emit(i, i % 3, False)
  wait_scatter((NCH - 1) % 3)

  plsc.subcore_barrier()

  pltpu.sync_copy(acc_sh.at[pl.ds(r0, ROWS_PER_TILE)],
                  out_hbm.at[pl.ds(c * N + r0, ROWS_PER_TILE)])

  @pl.when(s == NS - 1)
  def _():
    pltpu.sync_copy(acc_sh.at[pl.ds(N - TAIL_ROWS, TAIL_ROWS)],
                    out_hbm.at[pl.ds(c * N + N - TAIL_ROWS, TAIL_ROWS)])


_agg_sc = functools.partial(
    pl.kernel,
    out_type=jax.ShapeDtypeStruct((NC * N, D), jnp.float32),
    mesh=_mesh(),
    scratch_types=(
        [pltpu.VMEM((2, ECH), jnp.int32)] * 3
        + [pltpu.VMEM((ECH, D), jnp.float32)] * 3
        + [pltpu.VMEM_SHARED((N, D), jnp.float32)]
        + [pltpu.SemaphoreType.DMA] * 9
    ),
)(_agg_body)


def _tc1_body(d0_ref, d1_ref, x_ref, w_ref, dis_ref, lins_ref):
  deg = 1.0 + d0_ref[...] + d1_ref[...]
  dis = lax.rsqrt(deg)
  dis_ref[...] = dis
  lins_ref[...] = jnp.dot(x_ref[...], w_ref[...],
                          preferred_element_type=jnp.float32) * dis


_tc1 = pl.pallas_call(
    _tc1_body,
    out_shape=[
        jax.ShapeDtypeStruct((N, 1), jnp.float32),
        jax.ShapeDtypeStruct((N, D), jnp.float32),
    ],
)


def _tc2_body(a0_ref, a1_ref, lins_ref, dis_ref, b_ref, w_ref, out_ref):
  h = (a0_ref[...] + a1_ref[...] + lins_ref[...]) * dis_ref[...] + b_ref[...]
  h = jnp.maximum(h, 0.0)
  out_ref[...] = jnp.dot(h, w_ref[...],
                         preferred_element_type=jnp.float32) * dis_ref[...]


_tc2 = pl.pallas_call(
    _tc2_body,
    out_shape=jax.ShapeDtypeStruct((N, D), jnp.float32),
)


def _tc3_body(a0_ref, a1_ref, lins_ref, dis_ref, b_ref, out_ref):
  out_ref[...] = ((a0_ref[...] + a1_ref[...] + lins_ref[...]) * dis_ref[...]
                  + b_ref[...])


_tc3 = pl.pallas_call(
    _tc3_body,
    out_shape=jax.ShapeDtypeStruct((N, D), jnp.float32),
)


def kernel(x, edge_index, W1, b1, W2, b2):
  e32 = edge_index.astype(jnp.int32)
  src = e32[0].reshape(NW, NCH, ECH)
  dst = e32[1].reshape(NW, NCH, ECH)
  eidx = jnp.stack([src, dst], axis=2)
  zeros16 = jnp.zeros((N, 16), jnp.float32)
  zerosND = jnp.zeros((N, D), jnp.float32)
  b1r = b1.reshape(1, D)
  b2r = b2.reshape(1, D)

  degp = _degree_sc(dst, zeros16)
  d0 = degp[0:N, 0:1]
  d1 = degp[N:2 * N, 0:1]

  dis, lins1 = _tc1(d0, d1, x, W1)
  acc1 = _agg_sc(lins1, eidx, zerosND)
  lins2 = _tc2(acc1[0:N], acc1[N:2 * N], lins1, dis, b1r, W2)
  acc2 = _agg_sc(lins2, eidx, zerosND)
  return _tc3(acc2[0:N], acc2[N:2 * N], lins2, dis, b2r)

# --- scband reference (transcript-rebuilt; emitter-appended) ---
"""Pipeline reference for scband-gcn-429496729879 (READ-ONLY COPY).

The authoritative reference and input builder live on the scoring server;
editing this copy changes nothing except your own understanding.
"""

import jax, jax.numpy as jnp
import numpy as np

N_NODES = 10000
N_EDGES = 320000
D_IN = 128
D_HID = 128
D_OUT = 128


def setup_inputs(seed: int = 0) -> dict:
    key = jax.random.key(seed)
    k1, k2, k3, k4, k5, k6 = jax.random.split(key, 6)
    x = jax.random.normal(k1, (N_NODES, D_IN), dtype=jnp.float32)
    edge_index = jax.random.randint(k2, (2, N_EDGES), 0, N_NODES, dtype=jnp.int64)
    W1 = jax.random.normal(k3, (D_IN, D_HID), dtype=jnp.float32) * 0.05
    b1 = jnp.zeros((D_HID,), dtype=jnp.float32)
    W2 = jax.random.normal(k4, (D_HID, D_OUT), dtype=jnp.float32) * 0.05
    b2 = jnp.zeros((D_OUT,), dtype=jnp.float32)
    return {"x": x, "edge_index": edge_index, "W1": W1, "b1": b1, "W2": W2, "b2": b2}


def _gcn_norm(edge_index, num_nodes):
    # add self-loops
    loop = jnp.arange(num_nodes, dtype=edge_index.dtype)
    src = jnp.concatenate([edge_index[0], loop])
    dst = jnp.concatenate([edge_index[1], loop])
    # symmetric normalization D^{-1/2} (A+I) D^{-1/2}
    ones = jnp.ones_like(dst, dtype=jnp.float32)
    deg = jnp.zeros((num_nodes,), dtype=jnp.float32).at[dst].add(ones)
    deg_inv_sqrt = jnp.where(deg > 0, 1.0 / jnp.sqrt(deg), 0.0)
    norm = deg_inv_sqrt[src] * deg_inv_sqrt[dst]
    return src, dst, norm


def _gcn_conv(h, src, dst, norm, W, b, num_nodes):
    lin = h @ W
    msg = jnp.take(lin, src, axis=0) * norm[:, None]
    out = jax.ops.segment_sum(msg, dst, num_segments=num_nodes)
    return out + b


def reference(x, edge_index, W1, b1, W2, b2):
    num_nodes = x.shape[0]
    src, dst, norm = _gcn_norm(edge_index, num_nodes)
    h = _gcn_conv(x, src, dst, norm, W1, b1, num_nodes)
    h = jax.nn.relu(h)
    out = _gcn_conv(h, src, dst, norm, W2, b2, num_nodes)
    return out

if __name__ == "__main__":
    import jax
    _d = setup_inputs()
    print(jax.jit(kernel)(*tuple(_d.values())))

</pallas_src>

<mosaic_0001>
#map = affine_map<(d0, d1) -> (0, 0, 0)>
#map1 = affine_map<(d0, d1) -> (0, 0)>
module attributes {stable_mosaic.version = 14 : i64} {
  func.func @_degree_body(%arg0: i32, %arg1: i32, %arg2: memref<32x80x125xi32, #tpu.memory_space<hbm>>, %arg3: memref<10000x16xf32, #tpu.memory_space<hbm>>, %arg4: memref<20000x16xf32, #tpu.memory_space<hbm>>, %arg5: memref<80x125xi32, #tpu.memory_space<vmem>>, %arg6: memref<125x16xf32, #tpu.memory_space<vmem>>, %arg7: memref<10000x16xf32, #tpu.memory_space<vmem_shared>>, %arg8: memref<!tpu.dma_semaphore, #tpu.memory_space<semaphore_mem>>) attributes {dimension_semantics = [#tpu.dimension_semantics<core_parallel>, #tpu.dimension_semantics<subcore_parallel>], iteration_bounds = array<i64: 2, 16>, scalar_prefetch = 0 : i64, scratch_operands = 4 : i64, tpu.core_type = #tpu.core_type<sc_vector_subcore>, window_params = [{transform_indices = #map}, {transform_indices = #map1}, {transform_indices = #map1}]} {
    %mul3A = arith.constant 16 : i32
    %mul3A_0 = arith.muli %arg0, %mul3A : i32
    %add3A = arith.addi %mul3A_0, %arg1 : i32
    %scan3A = arith.constant 0 : i32
    %scan3A_1 = arith.constant 0 : i32
    %scan3A_2 = arith.constant 125 : i32
    %scan3A_3 = arith.addi %scan3A_1, %scan3A_2 : i32
    %scan3A_4 = arith.constant 1 : i32
    scf.for %scan3A_31 = %scan3A_1 to %scan3A_3 step %scan3A_4  : i32 {
      %broadcast_in_dim3A = arith.constant 1.000000e+00 : f32
      %broadcast_in_dim3A_32 = vector.broadcast %broadcast_in_dim3A : f32 to vector<16xf32>
      %swap3A = arith.index_cast %scan3A_31 : i32 to index
      %swap3A_33 = arith.constant 0 : index
      %swap3A_34 = tpu.vector_load %arg6[%swap3A, %swap3A_33] {strides = array<i32>} : memref<125x16xf32, #tpu.memory_space<vmem>>, vector<1x16xf32>,
      %swap3A_35 = vector.shape_cast %swap3A_34 : vector<1x16xf32> to vector<16xf32>
      %swap3A_36 = vector.shape_cast %broadcast_in_dim3A_32 : vector<16xf32> to vector<1x16xf32>
      tpu.vector_store %arg6[%swap3A, %swap3A_33], %swap3A_36 {strides = array<i32>} : memref<125x16xf32, #tpu.memory_space<vmem>>, vector<1x16xf32>,
    }
    %scan3A_5 = arith.constant 125 : i32
    "tpu.region"() ({
      %run_scoped3A = tpu.sem_alloc : memref<!tpu.dma_semaphore, #tpu.memory_space<semaphore_mem>>
      %dma_start3A = arith.constant 0 : i32
      %dma_start3A_31 = arith.constant 0 : i32
      %dma_start3A_32 = tpu.memref_slice %arg2[%add3A, %dma_start3A, %dma_start3A_31] : memref<32x80x125xi32, #tpu.memory_space<hbm>> -> memref<1x80x125xi32, #tpu.memory_space<hbm>>
      %dma_start3A_33 = tpu.memref_squeeze %dma_start3A_32 : memref<1x80x125xi32, #tpu.memory_space<hbm>> -> memref<80x125xi32, #tpu.memory_space<hbm>>
      %dma_start3A_34 = arith.constant 0 : i32
      %dma_start3A_35 = arith.constant 0 : i32
      %dma_start3A_36 = tpu.memref_slice %arg2[%add3A, %dma_start3A_34, %dma_start3A_35] : memref<32x80x125xi32, #tpu.memory_space<hbm>> -> memref<1x80x125xi32, #tpu.memory_space<hbm>>
      %dma_start3A_37 = tpu.memref_squeeze %dma_start3A_36 : memref<1x80x125xi32, #tpu.memory_space<hbm>> -> memref<80x125xi32, #tpu.memory_space<hbm>>
      tpu.enqueue_dma source(%dma_start3A_37 : memref<80x125xi32, #tpu.memory_space<hbm>>) target(%arg5 : memref<80x125xi32, #tpu.memory_space<vmem>>) target_semaphore(%run_scoped3A : memref<!tpu.dma_semaphore, #tpu.memory_space<semaphore_mem>>)
      %dma_wait3A = arith.constant 0 : i32
      %dma_wait3A_38 = arith.constant 0 : i32
      %dma_wait3A_39 = tpu.memref_slice %arg2[%add3A, %dma_wait3A, %dma_wait3A_38] : memref<32x80x125xi32, #tpu.memory_space<hbm>> -> memref<1x80x125xi32, #tpu.memory_space<hbm>>
      %dma_wait3A_40 = tpu.memref_squeeze %dma_wait3A_39 : memref<1x80x125xi32, #tpu.memory_space<hbm>> -> memref<80x125xi32, #tpu.memory_space<hbm>>
      %dma_wait3A_41 = arith.constant 0 : i32
      %dma_wait3A_42 = arith.constant 0 : i32
      %dma_wait3A_43 = tpu.memref_slice %arg2[%add3A, %dma_wait3A_41, %dma_wait3A_42] : memref<32x80x125xi32, #tpu.memory_space<hbm>> -> memref<1x80x125xi32, #tpu.memory_space<hbm>>
      %dma_wait3A_44 = tpu.memref_squeeze %dma_wait3A_43 : memref<1x80x125xi32, #tpu.memory_space<hbm>> -> memref<80x125xi32, #tpu.memory_space<hbm>>
      tpu.wait_dma2 semaphore(%run_scoped3A : memref<!tpu.dma_semaphore, #tpu.memory_space<semaphore_mem>>) src(%dma_wait3A_44 : memref<80x125xi32, #tpu.memory_space<hbm>>) dst(%arg5 : memref<80x125xi32, #tpu.memory_space<vmem>>)
      tpu.yield
    }) : () -> ()
    %mul3A_6 = arith.constant 624 : i32
    %mul3A_7 = arith.muli %arg1, %mul3A_6 : i32
    "tpu.region"() ({
      %run_scoped3A = tpu.sem_alloc : memref<!tpu.dma_semaphore, #tpu.memory_space<semaphore_mem>>
      %dma_start3A = arith.constant 0 : i32
      %dma_start3A_31 = tpu.memref_slice %arg7[%mul3A_7, %dma_start3A] : memref<10000x16xf32, #tpu.memory_space<vmem_shared>> -> memref<624x16xf32, #tpu.memory_space<vmem_shared>>
      %dma_start3A_32 = arith.constant 0 : i32
      %dma_start3A_33 = tpu.memref_slice %arg3[%mul3A_7, %dma_start3A_32] : memref<10000x16xf32, #tpu.memory_space<hbm>> -> memref<624x16xf32, #tpu.memory_space<hbm>>
      tpu.enqueue_dma source(%dma_start3A_33 : memref<624x16xf32, #tpu.memory_space<hbm>>) target(%dma_start3A_31 : memref<624x16xf32, #tpu.memory_space<vmem_shared>>) target_semaphore(%run_scoped3A : memref<!tpu.dma_semaphore, #tpu.memory_space<semaphore_mem>>)
      %dma_wait3A = arith.constant 0 : i32
      %dma_wait3A_34 = tpu.memref_slice %arg7[%mul3A_7, %dma_wait3A] : memref<10000x16xf32, #tpu.memory_space<vmem_shared>> -> memref<624x16xf32, #tpu.memory_space<vmem_shared>>
      %dma_wait3A_35 = arith.constant 0 : i32
      %dma_wait3A_36 = tpu.memref_slice %arg3[%mul3A_7, %dma_wait3A_35] : memref<10000x16xf32, #tpu.memory_space<hbm>> -> memref<624x16xf32, #tpu.memory_space<hbm>>
      tpu.wait_dma2 semaphore(%run_scoped3A : memref<!tpu.dma_semaphore, #tpu.memory_space<semaphore_mem>>) src(%dma_wait3A_36 : memref<624x16xf32, #tpu.memory_space<hbm>>) dst(%dma_wait3A_34 : memref<624x16xf32, #tpu.memory_space<vmem_shared>>)
      tpu.yield
    }) : () -> ()
    %eq3A = arith.constant 15 : i32
    %eq3A_8 = arith.cmpi eq, %arg1, %eq3A : i32
    %convert_element_type3A = arith.extui %eq3A_8 : i1 to i32
    %cond3A = arith.constant 0 : i32
    %cond3A_9 = arith.cmpi ne, %convert_element_type3A, %cond3A : i32
    scf.if %cond3A_9 {
      "tpu.region"() ({
        %run_scoped3A = tpu.sem_alloc : memref<!tpu.dma_semaphore, #tpu.memory_space<semaphore_mem>>
        %dma_start3A = arith.constant 9360 : i32
        %dma_start3A_31 = arith.constant 0 : i32
        %dma_start3A_32 = tpu.memref_slice %arg7[%dma_start3A, %dma_start3A_31] : memref<10000x16xf32, #tpu.memory_space<vmem_shared>> -> memref<640x16xf32, #tpu.memory_space<vmem_shared>>
        %dma_start3A_33 = arith.constant 9360 : i32
        %dma_start3A_34 = arith.constant 0 : i32
        %dma_start3A_35 = tpu.memref_slice %arg3[%dma_start3A_33, %dma_start3A_34] : memref<10000x16xf32, #tpu.memory_space<hbm>> -> memref<640x16xf32, #tpu.memory_space<hbm>>
        tpu.enqueue_dma source(%dma_start3A_35 : memref<640x16xf32, #tpu.memory_space<hbm>>) target(%dma_start3A_32 : memref<640x16xf32, #tpu.memory_space<vmem_shared>>) target_semaphore(%run_scoped3A : memref<!tpu.dma_semaphore, #tpu.memory_space<semaphore_mem>>)
        %dma_wait3A = arith.constant 9360 : i32
        %dma_wait3A_36 = arith.constant 0 : i32
        %dma_wait3A_37 = tpu.memref_slice %arg7[%dma_wait3A, %dma_wait3A_36] : memref<10000x16xf32, #tpu.memory_space<vmem_shared>> -> memref<640x16xf32, #tpu.memory_space<vmem_shared>>
        %dma_wait3A_38 = arith.constant 9360 : i32
        %dma_wait3A_39 = arith.constant 0 : i32
        %dma_wait3A_40 = tpu.memref_slice %arg3[%dma_wait3A_38, %dma_wait3A_39] : memref<10000x16xf32, #tpu.memory_space<hbm>> -> memref<640x16xf32, #tpu.memory_space<hbm>>
        tpu.wait_dma2 semaphore(%run_scoped3A : memref<!tpu.dma_semaphore, #tpu.memory_space<semaphore_mem>>) src(%dma_wait3A_40 : memref<640x16xf32, #tpu.memory_space<hbm>>) dst(%dma_wait3A_37 : memref<640x16xf32, #tpu.memory_space<vmem_shared>>)
        tpu.yield
      }) : () -> ()
    } else {
    }
    %barrier3A = arith.constant 0 : index
    tpu.barrier barrier_id(%barrier3A)
    %scan3A_10 = arith.constant 0 : i32
    %scan3A_11 = arith.constant 0 : i32
    %scan3A_12 = arith.constant 80 : i32
    %scan3A_13 = arith.addi %scan3A_11, %scan3A_12 : i32
    %scan3A_14 = arith.constant 1 : i32
    scf.for %scan3A_31 = %scan3A_11 to %scan3A_13 step %scan3A_14  : i32 {
      %dma_start3A = arith.constant 0 : i32
      %dma_start3A_32 = tpu.memref_slice %arg5[%scan3A_31, %dma_start3A] : memref<80x125xi32, #tpu.memory_space<vmem>> -> memref<1x125xi32, #tpu.memory_space<vmem>>
      %dma_start3A_33 = tpu.memref_squeeze %dma_start3A_32 : memref<1x125xi32, #tpu.memory_space<vmem>> -> memref<125xi32, #tpu.memory_space<vmem>>
      %dma_start3A_34 = arith.constant 0 : i32
      %dma_start3A_35 = arith.constant 0 : i32
      %dma_start3A_36 = tpu.memref_slice %arg7[%dma_start3A_34, %dma_start3A_35] : memref<10000x16xf32, #tpu.memory_space<vmem_shared>> -> memref<10000x16xf32, #tpu.memory_space<vmem_shared>>
      tpu.enqueue_indirect_dma source(%arg6 : memref<125x16xf32, #tpu.memory_space<vmem>>) target(%dma_start3A_36 : memref<10000x16xf32, #tpu.memory_space<vmem_shared>>) offsets(%dma_start3A_33 : memref<125xi32, #tpu.memory_space<vmem>>) semaphore(%arg8 : memref<!tpu.dma_semaphore, #tpu.memory_space<semaphore_mem>>) {add = true}
    }
    %scan3A_15 = arith.constant 80 : i32
    %scan3A_16 = arith.constant 0 : i32
    %scan3A_17 = arith.constant 0 : i32
    %scan3A_18 = arith.constant 80 : i32
    %scan3A_19 = arith.addi %scan3A_17, %scan3A_18 : i32
    %scan3A_20 = arith.constant 1 : i32
    scf.for %scan3A_31 = %scan3A_17 to %scan3A_19 step %scan3A_20  : i32 {
      %dma_wait3A = arith.constant 0 : i32
      %dma_wait3A_32 = arith.constant 0 : i32
      %dma_wait3A_33 = tpu.memref_slice %arg5[%dma_wait3A, %dma_wait3A_32] : memref<80x125xi32, #tpu.memory_space<vmem>> -> memref<1x125xi32, #tpu.memory_space<vmem>>
      %dma_wait3A_34 = tpu.memref_squeeze %dma_wait3A_33 : memref<1x125xi32, #tpu.memory_space<vmem>> -> memref<125xi32, #tpu.memory_space<vmem>>
      %dma_wait3A_35 = arith.constant 0 : i32
      %dma_wait3A_36 = arith.constant 0 : i32
      %dma_wait3A_37 = tpu.memref_slice %arg7[%dma_wait3A_35, %dma_wait3A_36] : memref<10000x16xf32, #tpu.memory_space<vmem_shared>> -> memref<10000x16xf32, #tpu.memory_space<vmem_shared>>
      tpu.wait_indirect_dma semaphore(%arg8 : memref<!tpu.dma_semaphore, #tpu.memory_space<semaphore_mem>>) src(%arg6 : memref<125x16xf32, #tpu.memory_space<vmem>>) dst(%dma_wait3A_37 : memref<10000x16xf32, #tpu.memory_space<vmem_shared>>)
    }
    %scan3A_21 = arith.constant 80 : i32
    %barrier3A_22 = arith.constant 0 : index
    tpu.barrier barrier_id(%barrier3A_22)
    %mul3A_23 = arith.constant 10000 : i32
    %mul3A_24 = arith.muli %arg0, %mul3A_23 : i32
    %add3A_25 = arith.addi %mul3A_24, %mul3A_7 : i32
    "tpu.region"() ({
      %run_scoped3A = tpu.sem_alloc : memref<!tpu.dma_semaphore, #tpu.memory_space<semaphore_mem>>
      %dma_start3A = arith.constant 0 : i32
      %dma_start3A_31 = tpu.memref_slice %arg4[%add3A_25, %dma_start3A] : memref<20000x16xf32, #tpu.memory_space<hbm>> -> memref<624x16xf32, #tpu.memory_space<hbm>>
      %dma_start3A_32 = arith.constant 0 : i32
      %dma_start3A_33 = tpu.memref_slice %arg7[%mul3A_7, %dma_start3A_32] : memref<10000x16xf32, #tpu.memory_space<vmem_shared>> -> memref<624x16xf32, #tpu.memory_space<vmem_shared>>
      tpu.enqueue_dma source(%dma_start3A_33 : memref<624x16xf32, #tpu.memory_space<vmem_shared>>) target(%dma_start3A_31 : memref<624x16xf32, #tpu.memory_space<hbm>>) target_semaphore(%run_scoped3A : memref<!tpu.dma_semaphore, #tpu.memory_space<semaphore_mem>>)
      %dma_wait3A = arith.constant 0 : i32
      %dma_wait3A_34 = tpu.memref_slice %arg4[%add3A_25, %dma_wait3A] : memref<20000x16xf32, #tpu.memory_space<hbm>> -> memref<624x16xf32, #tpu.memory_space<hbm>>
      %dma_wait3A_35 = arith.constant 0 : i32
      %dma_wait3A_36 = tpu.memref_slice %arg7[%mul3A_7, %dma_wait3A_35] : memref<10000x16xf32, #tpu.memory_space<vmem_shared>> -> memref<624x16xf32, #tpu.memory_space<vmem_shared>>
      tpu.wait_dma2 semaphore(%run_scoped3A : memref<!tpu.dma_semaphore, #tpu.memory_space<semaphore_mem>>) src(%dma_wait3A_36 : memref<624x16xf32, #tpu.memory_space<vmem_shared>>) dst(%dma_wait3A_34 : memref<624x16xf32, #tpu.memory_space<hbm>>)
      tpu.yield
    }) : () -> ()
    %eq3A_26 = arith.constant 15 : i32
    %eq3A_27 = arith.cmpi eq, %arg1, %eq3A_26 : i32
    %convert_element_type3A_28 = arith.extui %eq3A_27 : i1 to i32
    %cond3A_29 = arith.constant 0 : i32
    %cond3A_30 = arith.cmpi ne, %convert_element_type3A_28, %cond3A_29 : i32
    scf.if %cond3A_30 {
      %mul3A_31 = arith.constant 10000 : i32
      %mul3A_32 = arith.muli %arg0, %mul3A_31 : i32
      %add3A_33 = arith.constant 10000 : i32
      %add3A_34 = arith.addi %mul3A_32, %add3A_33 : i32
      %sub3A = arith.constant 640 : i32
      %sub3A_35 = arith.subi %add3A_34, %sub3A : i32
      "tpu.region"() ({
        %run_scoped3A = tpu.sem_alloc : memref<!tpu.dma_semaphore, #tpu.memory_space<semaphore_mem>>
        %dma_start3A = arith.constant 0 : i32
        %dma_start3A_36 = tpu.memref_slice %arg4[%sub3A_35, %dma_start3A] : memref<20000x16xf32, #tpu.memory_space<hbm>> -> memref<640x16xf32, #tpu.memory_space<hbm>>
        %dma_start3A_37 = arith.constant 9360 : i32
        %dma_start3A_38 = arith.constant 0 : i32
        %dma_start3A_39 = tpu.memref_slice %arg7[%dma_start3A_37, %dma_start3A_38] : memref<10000x16xf32, #tpu.memory_space<vmem_shared>> -> memref<640x16xf32, #tpu.memory_space<vmem_shared>>
        tpu.enqueue_dma source(%dma_start3A_39 : memref<640x16xf32, #tpu.memory_space<vmem_shared>>) target(%dma_start3A_36 : memref<640x16xf32, #tpu.memory_space<hbm>>) target_semaphore(%run_scoped3A : memref<!tpu.dma_semaphore, #tpu.memory_space<semaphore_mem>>)
        %dma_wait3A = arith.constant 0 : i32
        %dma_wait3A_40 = tpu.memref_slice %arg4[%sub3A_35, %dma_wait3A] : memref<20000x16xf32, #tpu.memory_space<hbm>> -> memref<640x16xf32, #tpu.memory_space<hbm>>
        %dma_wait3A_41 = arith.constant 9360 : i32
        %dma_wait3A_42 = arith.constant 0 : i32
        %dma_wait3A_43 = tpu.memref_slice %arg7[%dma_wait3A_41, %dma_wait3A_42] : memref<10000x16xf32, #tpu.memory_space<vmem_shared>> -> memref<640x16xf32, #tpu.memory_space<vmem_shared>>
        tpu.wait_dma2 semaphore(%run_scoped3A : memref<!tpu.dma_semaphore, #tpu.memory_space<semaphore_mem>>) src(%dma_wait3A_43 : memref<640x16xf32, #tpu.memory_space<vmem_shared>>) dst(%dma_wait3A_40 : memref<640x16xf32, #tpu.memory_space<hbm>>)
        tpu.yield
      }) : () -> ()
    } else {
    }
    return
  }
}

#map = affine_map<(d0, d1) -> (0, 0)>
#map1 = affine_map<(d0, d1) -> (0, 0, 0, 0)>
module attributes {stable_mosaic.version = 14 : i64} {
  func.func @_agg_body(%arg0: i32, %arg1: i32, %arg2: memref<10000x128xf32, #tpu.memory_space<hbm>>, %arg3: memref<32x80x2x125xi32, #tpu.memory_space<hbm>>, %arg4: memref<10000x128xf32, #tpu.memory_space<hbm>>, %arg5: memref<20000x128xf32, #tpu.memory_space<hbm>>, %arg6: memref<2x125xi32, #tpu.memory_space<vmem>>, %arg7: memref<2x125xi32, #tpu.memory_space<vmem>>, %arg8: memref<2x125xi32, #tpu.memory_space<vmem>>, %arg9: memref<125x128xf32, #tpu.memory_space<vmem>>, %arg10: memref<125x128xf32, #tpu.memory_space<vmem>>, %arg11: memref<125x128xf32, #tpu.memory_space<vmem>>, %arg12: memref<10000x128xf32, #tpu.memory_space<vmem_shared>>, %arg13: memref<!tpu.dma_semaphore, #tpu.memory_space<semaphore_mem>>, %arg14: memref<!tpu.dma_semaphore, #tpu.memory_space<semaphore_mem>>, %arg15: memref<!tpu.dma_semaphore, #tpu.memory_space<semaphore_mem>>, %arg16: memref<!tpu.dma_semaphore, #tpu.memory_space<semaphore_mem>>, %arg17: memref<!tpu.dma_semaphore, #tpu.memory_space<semaphore_mem>>, %arg18: memref<!tpu.dma_semaphore, #tpu.memory_space<semaphore_mem>>, %arg19: memref<!tpu.dma_semaphore, #tpu.memory_space<semaphore_mem>>, %arg20: memref<!tpu.dma_semaphore, #tpu.memory_space<semaphore_mem>>, %arg21: memref<!tpu.dma_semaphore, #tpu.memory_space<semaphore_mem>>) attributes {dimension_semantics = [#tpu.dimension_semantics<core_parallel>, #tpu.dimension_semantics<subcore_parallel>], iteration_bounds = array<i64: 2, 16>, scalar_prefetch = 0 : i64, scratch_operands = 16 : i64, tpu.core_type = #tpu.core_type<sc_vector_subcore>, window_params = [{transform_indices = #map}, {transform_indices = #map1}, {transform_indices = #map}, {transform_indices = #map}]} {
    %mul3A = arith.constant 16 : i32
    %mul3A_0 = arith.muli %arg0, %mul3A : i32
    %add3A = arith.addi %mul3A_0, %arg1 : i32
    %dma_start3A = arith.constant 0 : i32
    %dma_start3A_1 = arith.constant 0 : i32
    %dma_start3A_2 = arith.constant 0 : i32
    %dma_start3A_3 = tpu.memref_slice %arg3[%add3A, %dma_start3A, %dma_start3A_1, %dma_start3A_2] : memref<32x80x2x125xi32, #tpu.memory_space<hbm>> -> memref<1x1x2x125xi32, #tpu.memory_space<hbm>>
    %dma_start3A_4 = tpu.memref_squeeze %dma_start3A_3 : memref<1x1x2x125xi32, #tpu.memory_space<hbm>> -> memref<2x125xi32, #tpu.memory_space<hbm>>
    %dma_start3A_5 = arith.constant 0 : i32
    %dma_start3A_6 = arith.constant 0 : i32
    %dma_start3A_7 = tpu.memref_slice %arg3[%add3A, %dma_start3A, %dma_start3A_5, %dma_start3A_6] : memref<32x80x2x125xi32, #tpu.memory_space<hbm>> -> memref<1x1x2x125xi32, #tpu.memory_space<hbm>>
    %dma_start3A_8 = tpu.memref_squeeze %dma_start3A_7 : memref<1x1x2x125xi32, #tpu.memory_space<hbm>> -> memref<2x125xi32, #tpu.memory_space<hbm>>
    tpu.enqueue_dma source(%dma_start3A_8 : memref<2x125xi32, #tpu.memory_space<hbm>>) target(%arg6 : memref<2x125xi32, #tpu.memory_space<vmem>>) target_semaphore(%arg13 : memref<!tpu.dma_semaphore, #tpu.memory_space<semaphore_mem>>)
    %dma_start3A_9 = arith.constant 1 : i32
    %dma_start3A_10 = arith.constant 0 : i32
    %dma_start3A_11 = arith.constant 0 : i32
    %dma_start3A_12 = tpu.memref_slice %arg3[%add3A, %dma_start3A_9, %dma_start3A_10, %dma_start3A_11] : memref<32x80x2x125xi32, #tpu.memory_space<hbm>> -> memref<1x1x2x125xi32, #tpu.memory_space<hbm>>
    %dma_start3A_13 = tpu.memref_squeeze %dma_start3A_12 : memref<1x1x2x125xi32, #tpu.memory_space<hbm>> -> memref<2x125xi32, #tpu.memory_space<hbm>>
    %dma_start3A_14 = arith.constant 0 : i32
    %dma_start3A_15 = arith.constant 0 : i32
    %dma_start3A_16 = tpu.memref_slice %arg3[%add3A, %dma_start3A_9, %dma_start3A_14, %dma_start3A_15] : memref<32x80x2x125xi32, #tpu.memory_space<hbm>> -> memref<1x1x2x125xi32, #tpu.memory_space<hbm>>
    %dma_start3A_17 = tpu.memref_squeeze %dma_start3A_16 : memref<1x1x2x125xi32, #tpu.memory_space<hbm>> -> memref<2x125xi32, #tpu.memory_space<hbm>>
    tpu.enqueue_dma source(%dma_start3A_17 : memref<2x125xi32, #tpu.memory_space<hbm>>) target(%arg7 : memref<2x125xi32, #tpu.memory_space<vmem>>) target_semaphore(%arg14 : memref<!tpu.dma_semaphore, #tpu.memory_space<semaphore_mem>>)
    %mul3A_18 = arith.constant 624 : i32
    %mul3A_19 = arith.muli %arg1, %mul3A_18 : i32
    "tpu.region"() ({
      %run_scoped3A = tpu.sem_alloc : memref<!tpu.dma_semaphore, #tpu.memory_space<semaphore_mem>>
      %dma_start3A_116 = arith.constant 0 : i32
      %dma_start3A_117 = tpu.memref_slice %arg12[%mul3A_19, %dma_start3A_116] : memref<10000x128xf32, #tpu.memory_space<vmem_shared>> -> memref<624x128xf32, #tpu.memory_space<vmem_shared>>
      %dma_start3A_118 = arith.constant 0 : i32
      %dma_start3A_119 = tpu.memref_slice %arg4[%mul3A_19, %dma_start3A_118] : memref<10000x128xf32, #tpu.memory_space<hbm>> -> memref<624x128xf32, #tpu.memory_space<hbm>>
      tpu.enqueue_dma source(%dma_start3A_119 : memref<624x128xf32, #tpu.memory_space<hbm>>) target(%dma_start3A_117 : memref<624x128xf32, #tpu.memory_space<vmem_shared>>) target_semaphore(%run_scoped3A : memref<!tpu.dma_semaphore, #tpu.memory_space<semaphore_mem>>)
      %dma_wait3A_120 = arith.constant 0 : i32
      %dma_wait3A_121 = tpu.memref_slice %arg12[%mul3A_19, %dma_wait3A_120] : memref<10000x128xf32, #tpu.memory_space<vmem_shared>> -> memref<624x128xf32, #tpu.memory_space<vmem_shared>>
      %dma_wait3A_122 = arith.constant 0 : i32
      %dma_wait3A_123 = tpu.memref_slice %arg4[%mul3A_19, %dma_wait3A_122] : memref<10000x128xf32, #tpu.memory_space<hbm>> -> memref<624x128xf32, #tpu.memory_space<hbm>>
      tpu.wait_dma2 semaphore(%run_scoped3A : memref<!tpu.dma_semaphore, #tpu.memory_space<semaphore_mem>>) src(%dma_wait3A_123 : memref<624x128xf32, #tpu.memory_space<hbm>>) dst(%dma_wait3A_121 : memref<624x128xf32, #tpu.memory_space<vmem_shared>>)
      tpu.yield
    }) : () -> ()
    %eq3A = arith.constant 15 : i32
    %eq3A_20 = arith.cmpi eq, %arg1, %eq3A : i32
    %convert_element_type3A = arith.extui %eq3A_20 : i1 to i32
    %cond3A = arith.constant 0 : i32
    %cond3A_21 = arith.cmpi ne, %convert_element_type3A, %cond3A : i32
    scf.if %cond3A_21 {
      "tpu.region"() ({
        %run_scoped3A = tpu.sem_alloc : memref<!tpu.dma_semaphore, #tpu.memory_space<semaphore_mem>>
        %dma_start3A_116 = arith.constant 9360 : i32
        %dma_start3A_117 = arith.constant 0 : i32
        %dma_start3A_118 = tpu.memref_slice %arg12[%dma_start3A_116, %dma_start3A_117] : memref<10000x128xf32, #tpu.memory_space<vmem_shared>> -> memref<640x128xf32, #tpu.memory_space<vmem_shared>>
        %dma_start3A_119 = arith.constant 9360 : i32
        %dma_start3A_120 = arith.constant 0 : i32
        %dma_start3A_121 = tpu.memref_slice %arg4[%dma_start3A_119, %dma_start3A_120] : memref<10000x128xf32, #tpu.memory_space<hbm>> -> memref<640x128xf32, #tpu.memory_space<hbm>>
        tpu.enqueue_dma source(%dma_start3A_121 : memref<640x128xf32, #tpu.memory_space<hbm>>) target(%dma_start3A_118 : memref<640x128xf32, #tpu.memory_space<vmem_shared>>) target_semaphore(%run_scoped3A : memref<!tpu.dma_semaphore, #tpu.memory_space<semaphore_mem>>)
        %dma_wait3A_122 = arith.constant 9360 : i32
        %dma_wait3A_123 = arith.constant 0 : i32
        %dma_wait3A_124 = tpu.memref_slice %arg12[%dma_wait3A_122, %dma_wait3A_123] : memref<10000x128xf32, #tpu.memory_space<vmem_shared>> -> memref<640x128xf32, #tpu.memory_space<vmem_shared>>
        %dma_wait3A_125 = arith.constant 9360 : i32
        %dma_wait3A_126 = arith.constant 0 : i32
        %dma_wait3A_127 = tpu.memref_slice %arg4[%dma_wait3A_125, %dma_wait3A_126] : memref<10000x128xf32, #tpu.memory_space<hbm>> -> memref<640x128xf32, #tpu.memory_space<hbm>>
        tpu.wait_dma2 semaphore(%run_scoped3A : memref<!tpu.dma_semaphore, #tpu.memory_space<semaphore_mem>>) src(%dma_wait3A_127 : memref<640x128xf32, #tpu.memory_space<hbm>>) dst(%dma_wait3A_124 : memref<640x128xf32, #tpu.memory_space<vmem_shared>>)
        tpu.yield
      }) : () -> ()
    } else {
    }
    %barrier3A = arith.constant 0 : index
    tpu.barrier barrier_id(%barrier3A)
    %dma_wait3A = arith.constant 0 : i32
    %dma_wait3A_22 = arith.constant 0 : i32
    %dma_wait3A_23 = arith.constant 0 : i32
    %dma_wait3A_24 = tpu.memref_slice %arg3[%add3A, %dma_wait3A, %dma_wait3A_22, %dma_wait3A_23] : memref<32x80x2x125xi32, #tpu.memory_space<hbm>> -> memref<1x1x2x125xi32, #tpu.memory_space<hbm>>
    %dma_wait3A_25 = tpu.memref_squeeze %dma_wait3A_24 : memref<1x1x2x125xi32, #tpu.memory_space<hbm>> -> memref<2x125xi32, #tpu.memory_space<hbm>>
    %dma_wait3A_26 = arith.constant 0 : i32
    %dma_wait3A_27 = arith.constant 0 : i32
    %dma_wait3A_28 = tpu.memref_slice %arg3[%add3A, %dma_wait3A, %dma_wait3A_26, %dma_wait3A_27] : memref<32x80x2x125xi32, #tpu.memory_space<hbm>> -> memref<1x1x2x125xi32, #tpu.memory_space<hbm>>
    %dma_wait3A_29 = tpu.memref_squeeze %dma_wait3A_28 : memref<1x1x2x125xi32, #tpu.memory_space<hbm>> -> memref<2x125xi32, #tpu.memory_space<hbm>>
    tpu.wait_dma2 semaphore(%arg13 : memref<!tpu.dma_semaphore, #tpu.memory_space<semaphore_mem>>) src(%dma_wait3A_29 : memref<2x125xi32, #tpu.memory_space<hbm>>) dst(%arg6 : memref<2x125xi32, #tpu.memory_space<vmem>>)
    %dma_start3A_30 = arith.constant 0 : i32
    %dma_start3A_31 = arith.constant 0 : i32
    %dma_start3A_32 = tpu.memref_slice %arg6[%dma_start3A_30, %dma_start3A_31] : memref<2x125xi32, #tpu.memory_space<vmem>> -> memref<1x125xi32, #tpu.memory_space<vmem>>
    %dma_start3A_33 = tpu.memref_squeeze %dma_start3A_32 : memref<1x125xi32, #tpu.memory_space<vmem>> -> memref<125xi32, #tpu.memory_space<vmem>>
    %dma_start3A_34 = arith.constant 0 : i32
    %dma_start3A_35 = arith.constant 0 : i32
    %dma_start3A_36 = tpu.memref_slice %arg2[%dma_start3A_34, %dma_start3A_35] : memref<10000x128xf32, #tpu.memory_space<hbm>> -> memref<10000x128xf32, #tpu.memory_space<hbm>>
    tpu.enqueue_indirect_dma source(%dma_start3A_36 : memref<10000x128xf32, #tpu.memory_space<hbm>>) target(%arg9 : memref<125x128xf32, #tpu.memory_space<vmem>>) offsets(%dma_start3A_33 : memref<125xi32, #tpu.memory_space<vmem>>) semaphore(%arg16 : memref<!tpu.dma_semaphore, #tpu.memory_space<semaphore_mem>>)
    %scan3A = arith.constant 0 : i32
    %scan3A_37 = arith.constant 0 : i32
    %scan3A_38 = arith.constant 26 : i32
    %scan3A_39 = arith.addi %scan3A_37, %scan3A_38 : i32
    %scan3A_40 = arith.constant 1 : i32
    scf.for %scan3A_116 = %scan3A_37 to %scan3A_39 step %scan3A_40  : i32 {
      %mul3A_117 = arith.constant 3 : i32
      %mul3A_118 = arith.muli %scan3A_116, %mul3A_117 : i32
      %add3A_119 = arith.constant 0 : i32
      %add3A_120 = arith.addi %mul3A_118, %add3A_119 : i32
      %dma_wait3A_121 = arith.constant 0 : i32
      %dma_wait3A_122 = arith.constant 0 : i32
      %dma_wait3A_123 = tpu.memref_slice %arg6[%dma_wait3A_121, %dma_wait3A_122] : memref<2x125xi32, #tpu.memory_space<vmem>> -> memref<1x125xi32, #tpu.memory_space<vmem>>
      %dma_wait3A_124 = tpu.memref_squeeze %dma_wait3A_123 : memref<1x125xi32, #tpu.memory_space<vmem>> -> memref<125xi32, #tpu.memory_space<vmem>>
      %dma_wait3A_125 = arith.constant 0 : i32
      %dma_wait3A_126 = arith.constant 0 : i32
      %dma_wait3A_127 = tpu.memref_slice %arg2[%dma_wait3A_125, %dma_wait3A_126] : memref<10000x128xf32, #tpu.memory_space<hbm>> -> memref<10000x128xf32, #tpu.memory_space<hbm>>
      tpu.wait_indirect_dma semaphore(%arg16 : memref<!tpu.dma_semaphore, #tpu.memory_space<semaphore_mem>>) src(%dma_wait3A_127 : memref<10000x128xf32, #tpu.memory_space<hbm>>) dst(%arg9 : memref<125x128xf32, #tpu.memory_space<vmem>>)
      %ge3A = arith.constant 1 : i32
      %ge3A_128 = arith.cmpi sge, %add3A_120, %ge3A : i32
      %convert_element_type3A_129 = arith.extui %ge3A_128 : i1 to i32
      %cond3A_130 = arith.constant 0 : i32
      %cond3A_131 = arith.cmpi ne, %convert_element_type3A_129, %cond3A_130 : i32
      scf.if %cond3A_131 {
        %dma_wait3A_263 = arith.constant 1 : i32
        %dma_wait3A_264 = arith.constant 0 : i32
        %dma_wait3A_265 = tpu.memref_slice %arg8[%dma_wait3A_263, %dma_wait3A_264] : memref<2x125xi32, #tpu.memory_space<vmem>> -> memref<1x125xi32, #tpu.memory_space<vmem>>
        %dma_wait3A_266 = tpu.memref_squeeze %dma_wait3A_265 : memref<1x125xi32, #tpu.memory_space<vmem>> -> memref<125xi32, #tpu.memory_space<vmem>>
        %dma_wait3A_267 = arith.constant 0 : i32
        %dma_wait3A_268 = arith.constant 0 : i32
        %dma_wait3A_269 = tpu.memref_slice %arg12[%dma_wait3A_267, %dma_wait3A_268] : memref<10000x128xf32, #tpu.memory_space<vmem_shared>> -> memref<10000x128xf32, #tpu.memory_space<vmem_shared>>
        tpu.wait_indirect_dma semaphore(%arg21 : memref<!tpu.dma_semaphore, #tpu.memory_space<semaphore_mem>>) src(%arg11 : memref<125x128xf32, #tpu.memory_space<vmem>>) dst(%dma_wait3A_269 : memref<10000x128xf32, #tpu.memory_space<vmem_shared>>)
      } else {
      }
      %dma_start3A_132 = arith.constant 1 : i32
      %dma_start3A_133 = arith.constant 0 : i32
      %dma_start3A_134 = tpu.memref_slice %arg6[%dma_start3A_132, %dma_start3A_133] : memref<2x125xi32, #tpu.memory_space<vmem>> -> memref<1x125xi32, #tpu.memory_space<vmem>>
      %dma_start3A_135 = tpu.memref_squeeze %dma_start3A_134 : memref<1x125xi32, #tpu.memory_space<vmem>> -> memref<125xi32, #tpu.memory_space<vmem>>
      %dma_start3A_136 = arith.constant 0 : i32
      %dma_start3A_137 = arith.constant 0 : i32
      %dma_start3A_138 = tpu.memref_slice %arg12[%dma_start3A_136, %dma_start3A_137] : memref<10000x128xf32, #tpu.memory_space<vmem_shared>> -> memref<10000x128xf32, #tpu.memory_space<vmem_shared>>
      tpu.enqueue_indirect_dma source(%arg9 : memref<125x128xf32, #tpu.memory_space<vmem>>) target(%dma_start3A_138 : memref<10000x128xf32, #tpu.memory_space<vmem_shared>>) offsets(%dma_start3A_135 : memref<125xi32, #tpu.memory_space<vmem>>) semaphore(%arg19 : memref<!tpu.dma_semaphore, #tpu.memory_space<semaphore_mem>>) {add = true}
      %add3A_139 = arith.constant 2 : i32
      %add3A_140 = arith.addi %add3A_120, %add3A_139 : i32
      %dma_start3A_141 = arith.constant 0 : i32
      %dma_start3A_142 = arith.constant 0 : i32
      %dma_start3A_143 = tpu.memref_slice %arg3[%add3A, %add3A_140, %dma_start3A_141, %dma_start3A_142] : memref<32x80x2x125xi32, #tpu.memory_space<hbm>> -> memref<1x1x2x125xi32, #tpu.memory_space<hbm>>
      %dma_start3A_144 = tpu.memref_squeeze %dma_start3A_143 : memref<1x1x2x125xi32, #tpu.memory_space<hbm>> -> memref<2x125xi32, #tpu.memory_space<hbm>>
      %dma_start3A_145 = arith.constant 0 : i32
      %dma_start3A_146 = arith.constant 0 : i32
      %dma_start3A_147 = tpu.memref_slice %arg3[%add3A, %add3A_140, %dma_start3A_145, %dma_start3A_146] : memref<32x80x2x125xi32, #tpu.memory_space<hbm>> -> memref<1x1x2x125xi32, #tpu.memory_space<hbm>>
      %dma_start3A_148 = tpu.memref_squeeze %dma_start3A_147 : memref<1x1x2x125xi32, #tpu.memory_space<hbm>> -> memref<2x125xi32, #tpu.memory_space<hbm>>
      tpu.enqueue_dma source(%dma_start3A_148 : memref<2x125xi32, #tpu.memory_space<hbm>>) target(%arg8 : memref<2x125xi32, #tpu.memory_space<vmem>>) target_semaphore(%arg15 : memref<!tpu.dma_semaphore, #tpu.memory_space<semaphore_mem>>)
      %dma_wait3A_149 = arith.constant 0 : i32
      %dma_wait3A_150 = arith.constant 0 : i32
      %dma_wait3A_151 = arith.constant 0 : i32
      %dma_wait3A_152 = tpu.memref_slice %arg3[%add3A, %dma_wait3A_149, %dma_wait3A_150, %dma_wait3A_151] : memref<32x80x2x125xi32, #tpu.memory_space<hbm>> -> memref<1x1x2x125xi32, #tpu.memory_space<hbm>>
      %dma_wait3A_153 = tpu.memref_squeeze %dma_wait3A_152 : memref<1x1x2x125xi32, #tpu.memory_space<hbm>> -> memref<2x125xi32, #tpu.memory_space<hbm>>
      %dma_wait3A_154 = arith.constant 0 : i32
      %dma_wait3A_155 = arith.constant 0 : i32
      %dma_wait3A_156 = tpu.memref_slice %arg3[%add3A, %dma_wait3A_149, %dma_wait3A_154, %dma_wait3A_155] : memref<32x80x2x125xi32, #tpu.memory_space<hbm>> -> memref<1x1x2x125xi32, #tpu.memory_space<hbm>>
      %dma_wait3A_157 = tpu.memref_squeeze %dma_wait3A_156 : memref<1x1x2x125xi32, #tpu.memory_space<hbm>> -> memref<2x125xi32, #tpu.memory_space<hbm>>
      tpu.wait_dma2 semaphore(%arg14 : memref<!tpu.dma_semaphore, #tpu.memory_space<semaphore_mem>>) src(%dma_wait3A_157 : memref<2x125xi32, #tpu.memory_space<hbm>>) dst(%arg7 : memref<2x125xi32, #tpu.memory_space<vmem>>)
      %dma_start3A_158 = arith.constant 0 : i32
      %dma_start3A_159 = arith.constant 0 : i32
      %dma_start3A_160 = tpu.memref_slice %arg7[%dma_start3A_158, %dma_start3A_159] : memref<2x125xi32, #tpu.memory_space<vmem>> -> memref<1x125xi32, #tpu.memory_space<vmem>>
      %dma_start3A_161 = tpu.memref_squeeze %dma_start3A_160 : memref<1x125xi32, #tpu.memory_space<vmem>> -> memref<125xi32, #tpu.memory_space<vmem>>
      %dma_start3A_162 = arith.constant 0 : i32
      %dma_start3A_163 = arith.constant 0 : i32
      %dma_start3A_164 = tpu.memref_slice %arg2[%dma_start3A_162, %dma_start3A_163] : memref<10000x128xf32, #tpu.memory_space<hbm>> -> memref<10000x128xf32, #tpu.memory_space<hbm>>
      tpu.enqueue_indirect_dma source(%dma_start3A_164 : memref<10000x128xf32, #tpu.memory_space<hbm>>) target(%arg10 : memref<125x128xf32, #tpu.memory_space<vmem>>) offsets(%dma_start3A_161 : memref<125xi32, #tpu.memory_space<vmem>>) semaphore(%arg17 : memref<!tpu.dma_semaphore, #tpu.memory_space<semaphore_mem>>)
      %mul3A_165 = arith.constant 3 : i32
      %mul3A_166 = arith.muli %scan3A_116, %mul3A_165 : i32
      %add3A_167 = arith.constant 1 : i32
      %add3A_168 = arith.addi %mul3A_166, %add3A_167 : i32
      %dma_wait3A_169 = arith.constant 0 : i32
      %dma_wait3A_170 = arith.constant 0 : i32
      %dma_wait3A_171 = tpu.memref_slice %arg7[%dma_wait3A_169, %dma_wait3A_170] : memref<2x125xi32, #tpu.memory_space<vmem>> -> memref<1x125xi32, #tpu.memory_space<vmem>>
      %dma_wait3A_172 = tpu.memref_squeeze %dma_wait3A_171 : memref<1x125xi32, #tpu.memory_space<vmem>> -> memref<125xi32, #tpu.memory_space<vmem>>
      %dma_wait3A_173 = arith.constant 0 : i32
      %dma_wait3A_174 = arith.constant 0 : i32
      %dma_wait3A_175 = tpu.memref_slice %arg2[%dma_wait3A_173, %dma_wait3A_174] : memref<10000x128xf32, #tpu.memory_space<hbm>> -> memref<10000x128xf32, #tpu.memory_space<hbm>>
      tpu.wait_indirect_dma semaphore(%arg17 : memref<!tpu.dma_semaphore, #tpu.memory_space<semaphore_mem>>) src(%dma_wait3A_175 : memref<10000x128xf32, #tpu.memory_space<hbm>>) dst(%arg10 : memref<125x128xf32, #tpu.memory_space<vmem>>)
      %ge3A_176 = arith.constant 1 : i32
      %ge3A_177 = arith.cmpi sge, %add3A_168, %ge3A_176 : i32
      %convert_element_type3A_178 = arith.extui %ge3A_177 : i1 to i32
      %cond3A_179 = arith.constant 0 : i32
      %cond3A_180 = arith.cmpi ne, %convert_element_type3A_178, %cond3A_179 : i32
      scf.if %cond3A_180 {
        %dma_wait3A_263 = arith.constant 1 : i32
        %dma_wait3A_264 = arith.constant 0 : i32
        %dma_wait3A_265 = tpu.memref_slice %arg6[%dma_wait3A_263, %dma_wait3A_264] : memref<2x125xi32, #tpu.memory_space<vmem>> -> memref<1x125xi32, #tpu.memory_space<vmem>>
        %dma_wait3A_266 = tpu.memref_squeeze %dma_wait3A_265 : memref<1x125xi32, #tpu.memory_space<vmem>> -> memref<125xi32, #tpu.memory_space<vmem>>
        %dma_wait3A_267 = arith.constant 0 : i32
        %dma_wait3A_268 = arith.constant 0 : i32
        %dma_wait3A_269 = tpu.memref_slice %arg12[%dma_wait3A_267, %dma_wait3A_268] : memref<10000x128xf32, #tpu.memory_space<vmem_shared>> -> memref<10000x128xf32, #tpu.memory_space<vmem_shared>>
        tpu.wait_indirect_dma semaphore(%arg19 : memref<!tpu.dma_semaphore, #tpu.memory_space<semaphore_mem>>) src(%arg9 : memref<125x128xf32, #tpu.memory_space<vmem>>) dst(%dma_wait3A_269 : memref<10000x128xf32, #tpu.memory_space<vmem_shared>>)
      } else {
      }
      %dma_start3A_181 = arith.constant 1 : i32
      %dma_start3A_182 = arith.constant 0 : i32
      %dma_start3A_183 = tpu.memref_slice %arg7[%dma_start3A_181, %dma_start3A_182] : memref<2x125xi32, #tpu.memory_space<vmem>> -> memref<1x125xi32, #tpu.memory_space<vmem>>
      %dma_start3A_184 = tpu.memref_squeeze %dma_start3A_183 : memref<1x125xi32, #tpu.memory_space<vmem>> -> memref<125xi32, #tpu.memory_space<vmem>>
      %dma_start3A_185 = arith.constant 0 : i32
      %dma_start3A_186 = arith.constant 0 : i32
      %dma_start3A_187 = tpu.memref_slice %arg12[%dma_start3A_185, %dma_start3A_186] : memref<10000x128xf32, #tpu.memory_space<vmem_shared>> -> memref<10000x128xf32, #tpu.memory_space<vmem_shared>>
      tpu.enqueue_indirect_dma source(%arg10 : memref<125x128xf32, #tpu.memory_space<vmem>>) target(%dma_start3A_187 : memref<10000x128xf32, #tpu.memory_space<vmem_shared>>) offsets(%dma_start3A_184 : memref<125xi32, #tpu.memory_space<vmem>>) semaphore(%arg20 : memref<!tpu.dma_semaphore, #tpu.memory_space<semaphore_mem>>) {add = true}
      %add3A_188 = arith.constant 2 : i32
      %add3A_189 = arith.addi %add3A_168, %add3A_188 : i32
      %dma_start3A_190 = arith.constant 0 : i32
      %dma_start3A_191 = arith.constant 0 : i32
      %dma_start3A_192 = tpu.memref_slice %arg3[%add3A, %add3A_189, %dma_start3A_190, %dma_start3A_191] : memref<32x80x2x125xi32, #tpu.memory_space<hbm>> -> memref<1x1x2x125xi32, #tpu.memory_space<hbm>>
      %dma_start3A_193 = tpu.memref_squeeze %dma_start3A_192 : memref<1x1x2x125xi32, #tpu.memory_space<hbm>> -> memref<2x125xi32, #tpu.memory_space<hbm>>
      %dma_start3A_194 = arith.constant 0 : i32
      %dma_start3A_195 = arith.constant 0 : i32
      %dma_start3A_196 = tpu.memref_slice %arg3[%add3A, %add3A_189, %dma_start3A_194, %dma_start3A_195] : memref<32x80x2x125xi32, #tpu.memory_space<hbm>> -> memref<1x1x2x125xi32, #tpu.memory_space<hbm>>
      %dma_start3A_197 = tpu.memref_squeeze %dma_start3A_196 : memref<1x1x2x125xi32, #tpu.memory_space<hbm>> -> memref<2x125xi32, #tpu.memory_space<hbm>>
      tpu.enqueue_dma source(%dma_start3A_197 : memref<2x125xi32, #tpu.memory_space<hbm>>) target(%arg6 : memref<2x125xi32, #tpu.memory_space<vmem>>) target_semaphore(%arg13 : memref<!tpu.dma_semaphore, #tpu.memory_space<semaphore_mem>>)
      %dma_wait3A_198 = arith.constant 0 : i32
      %dma_wait3A_199 = arith.constant 0 : i32
      %dma_wait3A_200 = arith.constant 0 : i32
      %dma_wait3A_201 = tpu.memref_slice %arg3[%add3A, %dma_wait3A_198, %dma_wait3A_199, %dma_wait3A_200] : memref<32x80x2x125xi32, #tpu.memory_space<hbm>> -> memref<1x1x2x125xi32, #tpu.memory_space<hbm>>
      %dma_wait3A_202 = tpu.memref_squeeze %dma_wait3A_201 : memref<1x1x2x125xi32, #tpu.memory_space<hbm>> -> memref<2x125xi32, #tpu.memory_space<hbm>>
      %dma_wait3A_203 = arith.constant 0 : i32
      %dma_wait3A_204 = arith.constant 0 : i32
      %dma_wait3A_205 = tpu.memref_slice %arg3[%add3A, %dma_wait3A_198, %dma_wait3A_203, %dma_wait3A_204] : memref<32x80x2x125xi32, #tpu.memory_space<hbm>> -> memref<1x1x2x125xi32, #tpu.memory_space<hbm>>
      %dma_wait3A_206 = tpu.memref_squeeze %dma_wait3A_205 : memref<1x1x2x125xi32, #tpu.memory_space<hbm>> -> memref<2x125xi32, #tpu.memory_space<hbm>>
      tpu.wait_dma2 semaphore(%arg15 : memref<!tpu.dma_semaphore, #tpu.memory_space<semaphore_mem>>) src(%dma_wait3A_206 : memref<2x125xi32, #tpu.memory_space<hbm>>) dst(%arg8 : memref<2x125xi32, #tpu.memory_space<vmem>>)
      %dma_start3A_207 = arith.constant 0 : i32
      %dma_start3A_208 = arith.constant 0 : i32
      %dma_start3A_209 = tpu.memref_slice %arg8[%dma_start3A_207, %dma_start3A_208] : memref<2x125xi32, #tpu.memory_space<vmem>> -> memref<1x125xi32, #tpu.memory_space<vmem>>
      %dma_start3A_210 = tpu.memref_squeeze %dma_start3A_209 : memref<1x125xi32, #tpu.memory_space<vmem>> -> memref<125xi32, #tpu.memory_space<vmem>>
      %dma_start3A_211 = arith.constant 0 : i32
      %dma_start3A_212 = arith.constant 0 : i32
      %dma_start3A_213 = tpu.memref_slice %arg2[%dma_start3A_211, %dma_start3A_212] : memref<10000x128xf32, #tpu.memory_space<hbm>> -> memref<10000x128xf32, #tpu.memory_space<hbm>>
      tpu.enqueue_indirect_dma source(%dma_start3A_213 : memref<10000x128xf32, #tpu.memory_space<hbm>>) target(%arg11 : memref<125x128xf32, #tpu.memory_space<vmem>>) offsets(%dma_start3A_210 : memref<125xi32, #tpu.memory_space<vmem>>) semaphore(%arg18 : memref<!tpu.dma_semaphore, #tpu.memory_space<semaphore_mem>>)
      %mul3A_214 = arith.constant 3 : i32
      %mul3A_215 = arith.muli %scan3A_116, %mul3A_214 : i32
      %add3A_216 = arith.constant 2 : i32
      %add3A_217 = arith.addi %mul3A_215, %add3A_216 : i32
      %dma_wait3A_218 = arith.constant 0 : i32
      %dma_wait3A_219 = arith.constant 0 : i32
      %dma_wait3A_220 = tpu.memref_slice %arg8[%dma_wait3A_218, %dma_wait3A_219] : memref<2x125xi32, #tpu.memory_space<vmem>> -> memref<1x125xi32, #tpu.memory_space<vmem>>
      %dma_wait3A_221 = tpu.memref_squeeze %dma_wait3A_220 : memref<1x125xi32, #tpu.memory_space<vmem>> -> memref<125xi32, #tpu.memory_space<vmem>>
      %dma_wait3A_222 = arith.constant 0 : i32
      %dma_wait3A_223 = arith.constant 0 : i32
      %dma_wait3A_224 = tpu.memref_slice %arg2[%dma_wait3A_222, %dma_wait3A_223] : memref<10000x128xf32, #tpu.memory_space<hbm>> -> memref<10000x128xf32, #tpu.memory_space<hbm>>
      tpu.wait_indirect_dma semaphore(%arg18 : memref<!tpu.dma_semaphore, #tpu.memory_space<semaphore_mem>>) src(%dma_wait3A_224 : memref<10000x128xf32, #tpu.memory_space<hbm>>) dst(%arg11 : memref<125x128xf32, #tpu.memory_space<vmem>>)
      %ge3A_225 = arith.constant 1 : i32
      %ge3A_226 = arith.cmpi sge, %add3A_217, %ge3A_225 : i32
      %convert_element_type3A_227 = arith.extui %ge3A_226 : i1 to i32
      %cond3A_228 = arith.constant 0 : i32
      %cond3A_229 = arith.cmpi ne, %convert_element_type3A_227, %cond3A_228 : i32
      scf.if %cond3A_229 {
        %dma_wait3A_263 = arith.constant 1 : i32
        %dma_wait3A_264 = arith.constant 0 : i32
        %dma_wait3A_265 = tpu.memref_slice %arg7[%dma_wait3A_263, %dma_wait3A_264] : memref<2x125xi32, #tpu.memory_space<vmem>> -> memref<1x125xi32, #tpu.memory_space<vmem>>
        %dma_wait3A_266 = tpu.memref_squeeze %dma_wait3A_265 : memref<1x125xi32, #tpu.memory_space<vmem>> -> memref<125xi32, #tpu.memory_space<vmem>>
        %dma_wait3A_267 = arith.constant 0 : i32
        %dma_wait3A_268 = arith.constant 0 : i32
        %dma_wait3A_269 = tpu.memref_slice %arg12[%dma_wait3A_267, %dma_wait3A_268] : memref<10000x128xf32, #tpu.memory_space<vmem_shared>> -> memref<10000x128xf32, #tpu.memory_space<vmem_shared>>
        tpu.wait_indirect_dma semaphore(%arg20 : memref<!tpu.dma_semaphore, #tpu.memory_space<semaphore_mem>>) src(%arg10 : memref<125x128xf32, #tpu.memory_space<vmem>>) dst(%dma_wait3A_269 : memref<10000x128xf32, #tpu.memory_space<vmem_shared>>)
      } else {
      }
      %dma_start3A_230 = arith.constant 1 : i32
      %dma_start3A_231 = arith.constant 0 : i32
      %dma_start3A_232 = tpu.memref_slice %arg8[%dma_start3A_230, %dma_start3A_231] : memref<2x125xi32, #tpu.memory_space<vmem>> -> memref<1x125xi32, #tpu.memory_space<vmem>>
      %dma_start3A_233 = tpu.memref_squeeze %dma_start3A_232 : memref<1x125xi32, #tpu.memory_space<vmem>> -> memref<125xi32, #tpu.memory_space<vmem>>
      %dma_start3A_234 = arith.constant 0 : i32
      %dma_start3A_235 = arith.constant 0 : i32
      %dma_start3A_236 = tpu.memref_slice %arg12[%dma_start3A_234, %dma_start3A_235] : memref<10000x128xf32, #tpu.memory_space<vmem_shared>> -> memref<10000x128xf32, #tpu.memory_space<vmem_shared>>
      tpu.enqueue_indirect_dma source(%arg11 : memref<125x128xf32, #tpu.memory_space<vmem>>) target(%dma_start3A_236 : memref<10000x128xf32, #tpu.memory_space<vmem_shared>>) offsets(%dma_start3A_233 : memref<125xi32, #tpu.memory_space<vmem>>) semaphore(%arg21 : memref<!tpu.dma_semaphore, #tpu.memory_space<semaphore_mem>>) {add = true}
      %add3A_237 = arith.constant 2 : i32
      %add3A_238 = arith.addi %add3A_217, %add3A_237 : i32
      %dma_start3A_239 = arith.constant 0 : i32
      %dma_start3A_240 = arith.constant 0 : i32
      %dma_start3A_241 = tpu.memref_slice %arg3[%add3A, %add3A_238, %dma_start3A_239, %dma_start3A_240] : memref<32x80x2x125xi32, #tpu.memory_space<hbm>> -> memref<1x1x2x125xi32, #tpu.memory_space<hbm>>
      %dma_start3A_242 = tpu.memref_squeeze %dma_start3A_241 : memref<1x1x2x125xi32, #tpu.memory_space<hbm>> -> memref<2x125xi32, #tpu.memory_space<hbm>>
      %dma_start3A_243 = arith.constant 0 : i32
      %dma_start3A_244 = arith.constant 0 : i32
      %dma_start3A_245 = tpu.memref_slice %arg3[%add3A, %add3A_238, %dma_start3A_243, %dma_start3A_244] : memref<32x80x2x125xi32, #tpu.memory_space<hbm>> -> memref<1x1x2x125xi32, #tpu.memory_space<hbm>>
      %dma_start3A_246 = tpu.memref_squeeze %dma_start3A_245 : memref<1x1x2x125xi32, #tpu.memory_space<hbm>> -> memref<2x125xi32, #tpu.memory_space<hbm>>
      tpu.enqueue_dma source(%dma_start3A_246 : memref<2x125xi32, #tpu.memory_space<hbm>>) target(%arg7 : memref<2x125xi32, #tpu.memory_space<vmem>>) target_semaphore(%arg14 : memref<!tpu.dma_semaphore, #tpu.memory_space<semaphore_mem>>)
      %dma_wait3A_247 = arith.constant 0 : i32
      %dma_wait3A_248 = arith.constant 0 : i32
      %dma_wait3A_249 = arith.constant 0 : i32
      %dma_wait3A_250 = tpu.memref_slice %arg3[%add3A, %dma_wait3A_247, %dma_wait3A_248, %dma_wait3A_249] : memref<32x80x2x125xi32, #tpu.memory_space<hbm>> -> memref<1x1x2x125xi32, #tpu.memory_space<hbm>>
      %dma_wait3A_251 = tpu.memref_squeeze %dma_wait3A_250 : memref<1x1x2x125xi32, #tpu.memory_space<hbm>> -> memref<2x125xi32, #tpu.memory_space<hbm>>
      %dma_wait3A_252 = arith.constant 0 : i32
      %dma_wait3A_253 = arith.constant 0 : i32
      %dma_wait3A_254 = tpu.memref_slice %arg3[%add3A, %dma_wait3A_247, %dma_wait3A_252, %dma_wait3A_253] : memref<32x80x2x125xi32, #tpu.memory_space<hbm>> -> memref<1x1x2x125xi32, #tpu.memory_space<hbm>>
      %dma_wait3A_255 = tpu.memref_squeeze %dma_wait3A_254 : memref<1x1x2x125xi32, #tpu.memory_space<hbm>> -> memref<2x125xi32, #tpu.memory_space<hbm>>
      tpu.wait_dma2 semaphore(%arg13 : memref<!tpu.dma_semaphore, #tpu.memory_space<semaphore_mem>>) src(%dma_wait3A_255 : memref<2x125xi32, #tpu.memory_space<hbm>>) dst(%arg6 : memref<2x125xi32, #tpu.memory_space<vmem>>)
      %dma_start3A_256 = arith.constant 0 : i32
      %dma_start3A_257 = arith.constant 0 : i32
      %dma_start3A_258 = tpu.memref_slice %arg6[%dma_start3A_256, %dma_start3A_257] : memref<2x125xi32, #tpu.memory_space<vmem>> -> memref<1x125xi32, #tpu.memory_space<vmem>>
      %dma_start3A_259 = tpu.memref_squeeze %dma_start3A_258 : memref<1x125xi32, #tpu.memory_space<vmem>> -> memref<125xi32, #tpu.memory_space<vmem>>
      %dma_start3A_260 = arith.constant 0 : i32
      %dma_start3A_261 = arith.constant 0 : i32
      %dma_start3A_262 = tpu.memref_slice %arg2[%dma_start3A_260, %dma_start3A_261] : memref<10000x128xf32, #tpu.memory_space<hbm>> -> memref<10000x128xf32, #tpu.memory_space<hbm>>
      tpu.enqueue_indirect_dma source(%dma_start3A_262 : memref<10000x128xf32, #tpu.memory_space<hbm>>) target(%arg9 : memref<125x128xf32, #tpu.memory_space<vmem>>) offsets(%dma_start3A_259 : memref<125xi32, #tpu.memory_space<vmem>>) semaphore(%arg16 : memref<!tpu.dma_semaphore, #tpu.memory_space<semaphore_mem>>)
    }
    %scan3A_41 = arith.constant 26 : i32
    %dma_wait3A_42 = arith.constant 0 : i32
    %dma_wait3A_43 = arith.constant 0 : i32
    %dma_wait3A_44 = tpu.memref_slice %arg6[%dma_wait3A_42, %dma_wait3A_43] : memref<2x125xi32, #tpu.memory_space<vmem>> -> memref<1x125xi32, #tpu.memory_space<vmem>>
    %dma_wait3A_45 = tpu.memref_squeeze %dma_wait3A_44 : memref<1x125xi32, #tpu.memory_space<vmem>> -> memref<125xi32, #tpu.memory_space<vmem>>
    %dma_wait3A_46 = arith.constant 0 : i32
    %dma_wait3A_47 = arith.constant 0 : i32
    %dma_wait3A_48 = tpu.memref_slice %arg2[%dma_wait3A_46, %dma_wait3A_47] : memref<10000x128xf32, #tpu.memory_space<hbm>> -> memref<10000x128xf32, #tpu.memory_space<hbm>>
    tpu.wait_indirect_dma semaphore(%arg16 : memref<!tpu.dma_semaphore, #tpu.memory_space<semaphore_mem>>) src(%dma_wait3A_48 : memref<10000x128xf32, #tpu.memory_space<hbm>>) dst(%arg9 : memref<125x128xf32, #tpu.memory_space<vmem>>)
    %dma_wait3A_49 = arith.constant 1 : i32
    %dma_wait3A_50 = arith.constant 0 : i32
    %dma_wait3A_51 = tpu.memref_slice %arg8[%dma_wait3A_49, %dma_wait3A_50] : memref<2x125xi32, #tpu.memory_space<vmem>> -> memref<1x125xi32, #tpu.memory_space<vmem>>
    %dma_wait3A_52 = tpu.memref_squeeze %dma_wait3A_51 : memref<1x125xi32, #tpu.memory_space<vmem>> -> memref<125xi32, #tpu.memory_space<vmem>>
    %dma_wait3A_53 = arith.constant 0 : i32
    %dma_wait3A_54 = arith.constant 0 : i32
    %dma_wait3A_55 = tpu.memref_slice %arg12[%dma_wait3A_53, %dma_wait3A_54] : memref<10000x128xf32, #tpu.memory_space<vmem_shared>> -> memref<10000x128xf32, #tpu.memory_space<vmem_shared>>
    tpu.wait_indirect_dma semaphore(%arg21 : memref<!tpu.dma_semaphore, #tpu.memory_space<semaphore_mem>>) src(%arg11 : memref<125x128xf32, #tpu.memory_space<vmem>>) dst(%dma_wait3A_55 : memref<10000x128xf32, #tpu.memory_space<vmem_shared>>)
    %dma_start3A_56 = arith.constant 1 : i32
    %dma_start3A_57 = arith.constant 0 : i32
    %dma_start3A_58 = tpu.memref_slice %arg6[%dma_start3A_56, %dma_start3A_57] : memref<2x125xi32, #tpu.memory_space<vmem>> -> memref<1x125xi32, #tpu.memory_space<vmem>>
    %dma_start3A_59 = tpu.memref_squeeze %dma_start3A_58 : memref<1x125xi32, #tpu.memory_space<vmem>> -> memref<125xi32, #tpu.memory_space<vmem>>
    %dma_start3A_60 = arith.constant 0 : i32
    %dma_start3A_61 = arith.constant 0 : i32
    %dma_start3A_62 = tpu.memref_slice %arg12[%dma_start3A_60, %dma_start3A_61] : memref<10000x128xf32, #tpu.memory_space<vmem_shared>> -> memref<10000x128xf32, #tpu.memory_space<vmem_shared>>
    tpu.enqueue_indirect_dma source(%arg9 : memref<125x128xf32, #tpu.memory_space<vmem>>) target(%dma_start3A_62 : memref<10000x128xf32, #tpu.memory_space<vmem_shared>>) offsets(%dma_start3A_59 : memref<125xi32, #tpu.memory_space<vmem>>) semaphore(%arg19 : memref<!tpu.dma_semaphore, #tpu.memory_space<semaphore_mem>>) {add = true}
    %dma_wait3A_63 = arith.constant 0 : i32
    %dma_wait3A_64 = arith.constant 0 : i32
    %dma_wait3A_65 = arith.constant 0 : i32
    %dma_wait3A_66 = tpu.memref_slice %arg3[%add3A, %dma_wait3A_63, %dma_wait3A_64, %dma_wait3A_65] : memref<32x80x2x125xi32, #tpu.memory_space<hbm>> -> memref<1x1x2x125xi32, #tpu.memory_space<hbm>>
    %dma_wait3A_67 = tpu.memref_squeeze %dma_wait3A_66 : memref<1x1x2x125xi32, #tpu.memory_space<hbm>> -> memref<2x125xi32, #tpu.memory_space<hbm>>
    %dma_wait3A_68 = arith.constant 0 : i32
    %dma_wait3A_69 = arith.constant 0 : i32
    %dma_wait3A_70 = tpu.memref_slice %arg3[%add3A, %dma_wait3A_63, %dma_wait3A_68, %dma_wait3A_69] : memref<32x80x2x125xi32, #tpu.memory_space<hbm>> -> memref<1x1x2x125xi32, #tpu.memory_space<hbm>>
    %dma_wait3A_71 = tpu.memref_squeeze %dma_wait3A_70 : memref<1x1x2x125xi32, #tpu.memory_space<hbm>> -> memref<2x125xi32, #tpu.memory_space<hbm>>
    tpu.wait_dma2 semaphore(%arg14 : memref<!tpu.dma_semaphore, #tpu.memory_space<semaphore_mem>>) src(%dma_wait3A_71 : memref<2x125xi32, #tpu.memory_space<hbm>>) dst(%arg7 : memref<2x125xi32, #tpu.memory_space<vmem>>)
    %dma_start3A_72 = arith.constant 0 : i32
    %dma_start3A_73 = arith.constant 0 : i32
    %dma_start3A_74 = tpu.memref_slice %arg7[%dma_start3A_72, %dma_start3A_73] : memref<2x125xi32, #tpu.memory_space<vmem>> -> memref<1x125xi32, #tpu.memory_space<vmem>>
    %dma_start3A_75 = tpu.memref_squeeze %dma_start3A_74 : memref<1x125xi32, #tpu.memory_space<vmem>> -> memref<125xi32, #tpu.memory_space<vmem>>
    %dma_start3A_76 = arith.constant 0 : i32
    %dma_start3A_77 = arith.constant 0 : i32
    %dma_start3A_78 = tpu.memref_slice %arg2[%dma_start3A_76, %dma_start3A_77] : memref<10000x128xf32, #tpu.memory_space<hbm>> -> memref<10000x128xf32, #tpu.memory_space<hbm>>
    tpu.enqueue_indirect_dma source(%dma_start3A_78 : memref<10000x128xf32, #tpu.memory_space<hbm>>) target(%arg10 : memref<125x128xf32, #tpu.memory_space<vmem>>) offsets(%dma_start3A_75 : memref<125xi32, #tpu.memory_space<vmem>>) semaphore(%arg17 : memref<!tpu.dma_semaphore, #tpu.memory_space<semaphore_mem>>)
    %dma_wait3A_79 = arith.constant 0 : i32
    %dma_wait3A_80 = arith.constant 0 : i32
    %dma_wait3A_81 = tpu.memref_slice %arg7[%dma_wait3A_79, %dma_wait3A_80] : memref<2x125xi32, #tpu.memory_space<vmem>> -> memref<1x125xi32, #tpu.memory_space<vmem>>
    %dma_wait3A_82 = tpu.memref_squeeze %dma_wait3A_81 : memref<1x125xi32, #tpu.memory_space<vmem>> -> memref<125xi32, #tpu.memory_space<vmem>>
    %dma_wait3A_83 = arith.constant 0 : i32
    %dma_wait3A_84 = arith.constant 0 : i32
    %dma_wait3A_85 = tpu.memref_slice %arg2[%dma_wait3A_83, %dma_wait3A_84] : memref<10000x128xf32, #tpu.memory_space<hbm>> -> memref<10000x128xf32, #tpu.memory_space<hbm>>
    tpu.wait_indirect_dma semaphore(%arg17 : memref<!tpu.dma_semaphore, #tpu.memory_space<semaphore_mem>>) src(%dma_wait3A_85 : memref<10000x128xf32, #tpu.memory_space<hbm>>) dst(%arg10 : memref<125x128xf32, #tpu.memory_space<vmem>>)
    %dma_wait3A_86 = arith.constant 1 : i32
    %dma_wait3A_87 = arith.constant 0 : i32
    %dma_wait3A_88 = tpu.memref_slice %arg6[%dma_wait3A_86, %dma_wait3A_87] : memref<2x125xi32, #tpu.memory_space<vmem>> -> memref<1x125xi32, #tpu.memory_space<vmem>>
    %dma_wait3A_89 = tpu.memref_squeeze %dma_wait3A_88 : memref<1x125xi32, #tpu.memory_space<vmem>> -> memref<125xi32, #tpu.memory_space<vmem>>
    %dma_wait3A_90 = arith.constant 0 : i32
    %dma_wait3A_91 = arith.constant 0 : i32
    %dma_wait3A_92 = tpu.memref_slice %arg12[%dma_wait3A_90, %dma_wait3A_91] : memref<10000x128xf32, #tpu.memory_space<vmem_shared>> -> memref<10000x128xf32, #tpu.memory_space<vmem_shared>>
    tpu.wait_indirect_dma semaphore(%arg19 : memref<!tpu.dma_semaphore, #tpu.memory_space<semaphore_mem>>) src(%arg9 : memref<125x128xf32, #tpu.memory_space<vmem>>) dst(%dma_wait3A_92 : memref<10000x128xf32, #tpu.memory_space<vmem_shared>>)
    %dma_start3A_93 = arith.constant 1 : i32
    %dma_start3A_94 = arith.constant 0 : i32
    %dma_start3A_95 = tpu.memref_slice %arg7[%dma_start3A_93, %dma_start3A_94] : memref<2x125xi32, #tpu.memory_space<vmem>> -> memref<1x125xi32, #tpu.memory_space<vmem>>
    %dma_start3A_96 = tpu.memref_squeeze %dma_start3A_95 : memref<1x125xi32, #tpu.memory_space<vmem>> -> memref<125xi32, #tpu.memory_space<vmem>>
    %dma_start3A_97 = arith.constant 0 : i32
    %dma_start3A_98 = arith.constant 0 : i32
    %dma_start3A_99 = tpu.memref_slice %arg12[%dma_start3A_97, %dma_start3A_98] : memref<10000x128xf32, #tpu.memory_space<vmem_shared>> -> memref<10000x128xf32, #tpu.memory_space<vmem_shared>>
    tpu.enqueue_indirect_dma source(%arg10 : memref<125x128xf32, #tpu.memory_space<vmem>>) target(%dma_start3A_99 : memref<10000x128xf32, #tpu.memory_space<vmem_shared>>) offsets(%dma_start3A_96 : memref<125xi32, #tpu.memory_space<vmem>>) semaphore(%arg20 : memref<!tpu.dma_semaphore, #tpu.memory_space<semaphore_mem>>) {add = true}
    %dma_wait3A_100 = arith.constant 1 : i32
    %dma_wait3A_101 = arith.constant 0 : i32
    %dma_wait3A_102 = tpu.memref_slice %arg7[%dma_wait3A_100, %dma_wait3A_101] : memref<2x125xi32, #tpu.memory_space<vmem>> -> memref<1x125xi32, #tpu.memory_space<vmem>>
    %dma_wait3A_103 = tpu.memref_squeeze %dma_wait3A_102 : memref<1x125xi32, #tpu.memory_space<vmem>> -> memref<125xi32, #tpu.memory_space<vmem>>
    %dma_wait3A_104 = arith.constant 0 : i32
    %dma_wait3A_105 = arith.constant 0 : i32
    %dma_wait3A_106 = tpu.memref_slice %arg12[%dma_wait3A_104, %dma_wait3A_105] : memref<10000x128xf32, #tpu.memory_space<vmem_shared>> -> memref<10000x128xf32, #tpu.memory_space<vmem_shared>>
    tpu.wait_indirect_dma semaphore(%arg20 : memref<!tpu.dma_semaphore, #tpu.memory_space<semaphore_mem>>) src(%arg10 : memref<125x128xf32, #tpu.memory_space<vmem>>) dst(%dma_wait3A_106 : memref<10000x128xf32, #tpu.memory_space<vmem_shared>>)
    %barrier3A_107 = arith.constant 0 : index
    tpu.barrier barrier_id(%barrier3A_107)
    %mul3A_108 = arith.constant 10000 : i32
    %mul3A_109 = arith.muli %arg0, %mul3A_108 : i32
    %add3A_110 = arith.addi %mul3A_109, %mul3A_19 : i32
    "tpu.region"() ({
      %run_scoped3A = tpu.sem_alloc : memref<!tpu.dma_semaphore, #tpu.memory_space<semaphore_mem>>
      %dma_start3A_116 = arith.constant 0 : i32
      %dma_start3A_117 = tpu.memref_slice %arg5[%add3A_110, %dma_start3A_116] : memref<20000x128xf32, #tpu.memory_space<hbm>> -> memref<624x128xf32, #tpu.memory_space<hbm>>
      %dma_start3A_118 = arith.constant 0 : i32
      %dma_start3A_119 = tpu.memref_slice %arg12[%mul3A_19, %dma_start3A_118] : memref<10000x128xf32, #tpu.memory_space<vmem_shared>> -> memref<624x128xf32, #tpu.memory_space<vmem_shared>>
      tpu.enqueue_dma source(%dma_start3A_119 : memref<624x128xf32, #tpu.memory_space<vmem_shared>>) target(%dma_start3A_117 : memref<624x128xf32, #tpu.memory_space<hbm>>) target_semaphore(%run_scoped3A : memref<!tpu.dma_semaphore, #tpu.memory_space<semaphore_mem>>)
      %dma_wait3A_120 = arith.constant 0 : i32
      %dma_wait3A_121 = tpu.memref_slice %arg5[%add3A_110, %dma_wait3A_120] : memref<20000x128xf32, #tpu.memory_space<hbm>> -> memref<624x128xf32, #tpu.memory_space<hbm>>
      %dma_wait3A_122 = arith.constant 0 : i32
      %dma_wait3A_123 = tpu.memref_slice %arg12[%mul3A_19, %dma_wait3A_122] : memref<10000x128xf32, #tpu.memory_space<vmem_shared>> -> memref<624x128xf32, #tpu.memory_space<vmem_shared>>
      tpu.wait_dma2 semaphore(%run_scoped3A : memref<!tpu.dma_semaphore, #tpu.memory_space<semaphore_mem>>) src(%dma_wait3A_123 : memref<624x128xf32, #tpu.memory_space<vmem_shared>>) dst(%dma_wait3A_121 : memref<624x128xf32, #tpu.memory_space<hbm>>)
      tpu.yield
    }) : () -> ()
    %eq3A_111 = arith.constant 15 : i32
    %eq3A_112 = arith.cmpi eq, %arg1, %eq3A_111 : i32
    %convert_element_type3A_113 = arith.extui %eq3A_112 : i1 to i32
    %cond3A_114 = arith.constant 0 : i32
    %cond3A_115 = arith.cmpi ne, %convert_element_type3A_113, %cond3A_114 : i32
    scf.if %cond3A_115 {
      %mul3A_116 = arith.constant 10000 : i32
      %mul3A_117 = arith.muli %arg0, %mul3A_116 : i32
      %add3A_118 = arith.constant 10000 : i32
      %add3A_119 = arith.addi %mul3A_117, %add3A_118 : i32
      %sub3A = arith.constant 640 : i32
      %sub3A_120 = arith.subi %add3A_119, %sub3A : i32
      "tpu.region"() ({
        %run_scoped3A = tpu.sem_alloc : memref<!tpu.dma_semaphore, #tpu.memory_space<semaphore_mem>>
        %dma_start3A_121 = arith.constant 0 : i32
        %dma_start3A_122 = tpu.memref_slice %arg5[%sub3A_120, %dma_start3A_121] : memref<20000x128xf32, #tpu.memory_space<hbm>> -> memref<640x128xf32, #tpu.memory_space<hbm>>
        %dma_start3A_123 = arith.constant 9360 : i32
        %dma_start3A_124 = arith.constant 0 : i32
        %dma_start3A_125 = tpu.memref_slice %arg12[%dma_start3A_123, %dma_start3A_124] : memref<10000x128xf32, #tpu.memory_space<vmem_shared>> -> memref<640x128xf32, #tpu.memory_space<vmem_shared>>
        tpu.enqueue_dma source(%dma_start3A_125 : memref<640x128xf32, #tpu.memory_space<vmem_shared>>) target(%dma_start3A_122 : memref<640x128xf32, #tpu.memory_space<hbm>>) target_semaphore(%run_scoped3A : memref<!tpu.dma_semaphore, #tpu.memory_space<semaphore_mem>>)
        %dma_wait3A_126 = arith.constant 0 : i32
        %dma_wait3A_127 = tpu.memref_slice %arg5[%sub3A_120, %dma_wait3A_126] : memref<20000x128xf32, #tpu.memory_space<hbm>> -> memref<640x128xf32, #tpu.memory_space<hbm>>
        %dma_wait3A_128 = arith.constant 9360 : i32
        %dma_wait3A_129 = arith.constant 0 : i32
        %dma_wait3A_130 = tpu.memref_slice %arg12[%dma_wait3A_128, %dma_wait3A_129] : memref<10000x128xf32, #tpu.memory_space<vmem_shared>> -> memref<640x128xf32, #tpu.memory_space<vmem_shared>>
        tpu.wait_dma2 semaphore(%run_scoped3A : memref<!tpu.dma_semaphore, #tpu.memory_space<semaphore_mem>>) src(%dma_wait3A_130 : memref<640x128xf32, #tpu.memory_space<vmem_shared>>) dst(%dma_wait3A_127 : memref<640x128xf32, #tpu.memory_space<hbm>>)
        tpu.yield
      }) : () -> ()
    } else {
    }
    return
  }
}

#map = affine_map<(d0, d1) -> (0, 0)>
#map1 = affine_map<(d0, d1) -> (0, 0, 0, 0)>
module attributes {stable_mosaic.version = 14 : i64} {
  func.func @_agg_body(%arg0: i32, %arg1: i32, %arg2: memref<10000x128xf32, #tpu.memory_space<hbm>>, %arg3: memref<32x80x2x125xi32, #tpu.memory_space<hbm>>, %arg4: memref<10000x128xf32, #tpu.memory_space<hbm>>, %arg5: memref<20000x128xf32, #tpu.memory_space<hbm>>, %arg6: memref<2x125xi32, #tpu.memory_space<vmem>>, %arg7: memref<2x125xi32, #tpu.memory_space<vmem>>, %arg8: memref<2x125xi32, #tpu.memory_space<vmem>>, %arg9: memref<125x128xf32, #tpu.memory_space<vmem>>, %arg10: memref<125x128xf32, #tpu.memory_space<vmem>>, %arg11: memref<125x128xf32, #tpu.memory_space<vmem>>, %arg12: memref<10000x128xf32, #tpu.memory_space<vmem_shared>>, %arg13: memref<!tpu.dma_semaphore, #tpu.memory_space<semaphore_mem>>, %arg14: memref<!tpu.dma_semaphore, #tpu.memory_space<semaphore_mem>>, %arg15: memref<!tpu.dma_semaphore, #tpu.memory_space<semaphore_mem>>, %arg16: memref<!tpu.dma_semaphore, #tpu.memory_space<semaphore_mem>>, %arg17: memref<!tpu.dma_semaphore, #tpu.memory_space<semaphore_mem>>, %arg18: memref<!tpu.dma_semaphore, #tpu.memory_space<semaphore_mem>>, %arg19: memref<!tpu.dma_semaphore, #tpu.memory_space<semaphore_mem>>, %arg20: memref<!tpu.dma_semaphore, #tpu.memory_space<semaphore_mem>>, %arg21: memref<!tpu.dma_semaphore, #tpu.memory_space<semaphore_mem>>) attributes {dimension_semantics = [#tpu.dimension_semantics<core_parallel>, #tpu.dimension_semantics<subcore_parallel>], iteration_bounds = array<i64: 2, 16>, scalar_prefetch = 0 : i64, scratch_operands = 16 : i64, tpu.core_type = #tpu.core_type<sc_vector_subcore>, window_params = [{transform_indices = #map}, {transform_indices = #map1}, {transform_indices = #map}, {transform_indices = #map}]} {
    %mul3A = arith.constant 16 : i32
    %mul3A_0 = arith.muli %arg0, %mul3A : i32
    %add3A = arith.addi %mul3A_0, %arg1 : i32
    %dma_start3A = arith.constant 0 : i32
    %dma_start3A_1 = arith.constant 0 : i32
    %dma_start3A_2 = arith.constant 0 : i32
    %dma_start3A_3 = tpu.memref_slice %arg3[%add3A, %dma_start3A, %dma_start3A_1, %dma_start3A_2] : memref<32x80x2x125xi32, #tpu.memory_space<hbm>> -> memref<1x1x2x125xi32, #tpu.memory_space<hbm>>
    %dma_start3A_4 = tpu.memref_squeeze %dma_start3A_3 : memref<1x1x2x125xi32, #tpu.memory_space<hbm>> -> memref<2x125xi32, #tpu.memory_space<hbm>>
    %dma_start3A_5 = arith.constant 0 : i32
    %dma_start3A_6 = arith.constant 0 : i32
    %dma_start3A_7 = tpu.memref_slice %arg3[%add3A, %dma_start3A, %dma_start3A_5, %dma_start3A_6] : memref<32x80x2x125xi32, #tpu.memory_space<hbm>> -> memref<1x1x2x125xi32, #tpu.memory_space<hbm>>
    %dma_start3A_8 = tpu.memref_squeeze %dma_start3A_7 : memref<1x1x2x125xi32, #tpu.memory_space<hbm>> -> memref<2x125xi32, #tpu.memory_space<hbm>>
    tpu.enqueue_dma source(%dma_start3A_8 : memref<2x125xi32, #tpu.memory_space<hbm>>) target(%arg6 : memref<2x125xi32, #tpu.memory_space<vmem>>) target_semaphore(%arg13 : memref<!tpu.dma_semaphore, #tpu.memory_space<semaphore_mem>>)
    %dma_start3A_9 = arith.constant 1 : i32
    %dma_start3A_10 = arith.constant 0 : i32
    %dma_start3A_11 = arith.constant 0 : i32
    %dma_start3A_12 = tpu.memref_slice %arg3[%add3A, %dma_start3A_9, %dma_start3A_10, %dma_start3A_11] : memref<32x80x2x125xi32, #tpu.memory_space<hbm>> -> memref<1x1x2x125xi32, #tpu.memory_space<hbm>>
    %dma_start3A_13 = tpu.memref_squeeze %dma_start3A_12 : memref<1x1x2x125xi32, #tpu.memory_space<hbm>> -> memref<2x125xi32, #tpu.memory_space<hbm>>
    %dma_start3A_14 = arith.constant 0 : i32
    %dma_start3A_15 = arith.constant 0 : i32
    %dma_start3A_16 = tpu.memref_slice %arg3[%add3A, %dma_start3A_9, %dma_start3A_14, %dma_start3A_15] : memref<32x80x2x125xi32, #tpu.memory_space<hbm>> -> memref<1x1x2x125xi32, #tpu.memory_space<hbm>>
    %dma_start3A_17 = tpu.memref_squeeze %dma_start3A_16 : memref<1x1x2x125xi32, #tpu.memory_space<hbm>> -> memref<2x125xi32, #tpu.memory_space<hbm>>
    tpu.enqueue_dma source(%dma_start3A_17 : memref<2x125xi32, #tpu.memory_space<hbm>>) target(%arg7 : memref<2x125xi32, #tpu.memory_space<vmem>>) target_semaphore(%arg14 : memref<!tpu.dma_semaphore, #tpu.memory_space<semaphore_mem>>)
    %mul3A_18 = arith.constant 624 : i32
    %mul3A_19 = arith.muli %arg1, %mul3A_18 : i32
    "tpu.region"() ({
      %run_scoped3A = tpu.sem_alloc : memref<!tpu.dma_semaphore, #tpu.memory_space<semaphore_mem>>
      %dma_start3A_116 = arith.constant 0 : i32
      %dma_start3A_117 = tpu.memref_slice %arg12[%mul3A_19, %dma_start3A_116] : memref<10000x128xf32, #tpu.memory_space<vmem_shared>> -> memref<624x128xf32, #tpu.memory_space<vmem_shared>>
      %dma_start3A_118 = arith.constant 0 : i32
      %dma_start3A_119 = tpu.memref_slice %arg4[%mul3A_19, %dma_start3A_118] : memref<10000x128xf32, #tpu.memory_space<hbm>> -> memref<624x128xf32, #tpu.memory_space<hbm>>
      tpu.enqueue_dma source(%dma_start3A_119 : memref<624x128xf32, #tpu.memory_space<hbm>>) target(%dma_start3A_117 : memref<624x128xf32, #tpu.memory_space<vmem_shared>>) target_semaphore(%run_scoped3A : memref<!tpu.dma_semaphore, #tpu.memory_space<semaphore_mem>>)
      %dma_wait3A_120 = arith.constant 0 : i32
      %dma_wait3A_121 = tpu.memref_slice %arg12[%mul3A_19, %dma_wait3A_120] : memref<10000x128xf32, #tpu.memory_space<vmem_shared>> -> memref<624x128xf32, #tpu.memory_space<vmem_shared>>
      %dma_wait3A_122 = arith.constant 0 : i32
      %dma_wait3A_123 = tpu.memref_slice %arg4[%mul3A_19, %dma_wait3A_122] : memref<10000x128xf32, #tpu.memory_space<hbm>> -> memref<624x128xf32, #tpu.memory_space<hbm>>
      tpu.wait_dma2 semaphore(%run_scoped3A : memref<!tpu.dma_semaphore, #tpu.memory_space<semaphore_mem>>) src(%dma_wait3A_123 : memref<624x128xf32, #tpu.memory_space<hbm>>) dst(%dma_wait3A_121 : memref<624x128xf32, #tpu.memory_space<vmem_shared>>)
      tpu.yield
    }) : () -> ()
    %eq3A = arith.constant 15 : i32
    %eq3A_20 = arith.cmpi eq, %arg1, %eq3A : i32
    %convert_element_type3A = arith.extui %eq3A_20 : i1 to i32
    %cond3A = arith.constant 0 : i32
    %cond3A_21 = arith.cmpi ne, %convert_element_type3A, %cond3A : i32
    scf.if %cond3A_21 {
      "tpu.region"() ({
        %run_scoped3A = tpu.sem_alloc : memref<!tpu.dma_semaphore, #tpu.memory_space<semaphore_mem>>
        %dma_start3A_116 = arith.constant 9360 : i32
        %dma_start3A_117 = arith.constant 0 : i32
        %dma_start3A_118 = tpu.memref_slice %arg12[%dma_start3A_116, %dma_start3A_117] : memref<10000x128xf32, #tpu.memory_space<vmem_shared>> -> memref<640x128xf32, #tpu.memory_space<vmem_shared>>
        %dma_start3A_119 = arith.constant 9360 : i32
        %dma_start3A_120 = arith.constant 0 : i32
        %dma_start3A_121 = tpu.memref_slice %arg4[%dma_start3A_119, %dma_start3A_120] : memref<10000x128xf32, #tpu.memory_space<hbm>> -> memref<640x128xf32, #tpu.memory_space<hbm>>
        tpu.enqueue_dma source(%dma_start3A_121 : memref<640x128xf32, #tpu.memory_space<hbm>>) target(%dma_start3A_118 : memref<640x128xf32, #tpu.memory_space<vmem_shared>>) target_semaphore(%run_scoped3A : memref<!tpu.dma_semaphore, #tpu.memory_space<semaphore_mem>>)
        %dma_wait3A_122 = arith.constant 9360 : i32
        %dma_wait3A_123 = arith.constant 0 : i32
        %dma_wait3A_124 = tpu.memref_slice %arg12[%dma_wait3A_122, %dma_wait3A_123] : memref<10000x128xf32, #tpu.memory_space<vmem_shared>> -> memref<640x128xf32, #tpu.memory_space<vmem_shared>>
        %dma_wait3A_125 = arith.constant 9360 : i32
        %dma_wait3A_126 = arith.constant 0 : i32
        %dma_wait3A_127 = tpu.memref_slice %arg4[%dma_wait3A_125, %dma_wait3A_126] : memref<10000x128xf32, #tpu.memory_space<hbm>> -> memref<640x128xf32, #tpu.memory_space<hbm>>
        tpu.wait_dma2 semaphore(%run_scoped3A : memref<!tpu.dma_semaphore, #tpu.memory_space<semaphore_mem>>) src(%dma_wait3A_127 : memref<640x128xf32, #tpu.memory_space<hbm>>) dst(%dma_wait3A_124 : memref<640x128xf32, #tpu.memory_space<vmem_shared>>)
        tpu.yield
      }) : () -> ()
    } else {
    }
    %barrier3A = arith.constant 0 : index
    tpu.barrier barrier_id(%barrier3A)
    %dma_wait3A = arith.constant 0 : i32
    %dma_wait3A_22 = arith.constant 0 : i32
    %dma_wait3A_23 = arith.constant 0 : i32
    %dma_wait3A_24 = tpu.memref_slice %arg3[%add3A, %dma_wait3A, %dma_wait3A_22, %dma_wait3A_23] : memref<32x80x2x125xi32, #tpu.memory_space<hbm>> -> memref<1x1x2x125xi32, #tpu.memory_space<hbm>>
    %dma_wait3A_25 = tpu.memref_squeeze %dma_wait3A_24 : memref<1x1x2x125xi32, #tpu.memory_space<hbm>> -> memref<2x125xi32, #tpu.memory_space<hbm>>
    %dma_wait3A_26 = arith.constant 0 : i32
    %dma_wait3A_27 = arith.constant 0 : i32
    %dma_wait3A_28 = tpu.memref_slice %arg3[%add3A, %dma_wait3A, %dma_wait3A_26, %dma_wait3A_27] : memref<32x80x2x125xi32, #tpu.memory_space<hbm>> -> memref<1x1x2x125xi32, #tpu.memory_space<hbm>>
    %dma_wait3A_29 = tpu.memref_squeeze %dma_wait3A_28 : memref<1x1x2x125xi32, #tpu.memory_space<hbm>> -> memref<2x125xi32, #tpu.memory_space<hbm>>
    tpu.wait_dma2 semaphore(%arg13 : memref<!tpu.dma_semaphore, #tpu.memory_space<semaphore_mem>>) src(%dma_wait3A_29 : memref<2x125xi32, #tpu.memory_space<hbm>>) dst(%arg6 : memref<2x125xi32, #tpu.memory_space<vmem>>)
    %dma_start3A_30 = arith.constant 0 : i32
    %dma_start3A_31 = arith.constant 0 : i32
    %dma_start3A_32 = tpu.memref_slice %arg6[%dma_start3A_30, %dma_start3A_31] : memref<2x125xi32, #tpu.memory_space<vmem>> -> memref<1x125xi32, #tpu.memory_space<vmem>>
    %dma_start3A_33 = tpu.memref_squeeze %dma_start3A_32 : memref<1x125xi32, #tpu.memory_space<vmem>> -> memref<125xi32, #tpu.memory_space<vmem>>
    %dma_start3A_34 = arith.constant 0 : i32
    %dma_start3A_35 = arith.constant 0 : i32
    %dma_start3A_36 = tpu.memref_slice %arg2[%dma_start3A_34, %dma_start3A_35] : memref<10000x128xf32, #tpu.memory_space<hbm>> -> memref<10000x128xf32, #tpu.memory_space<hbm>>
    tpu.enqueue_indirect_dma source(%dma_start3A_36 : memref<10000x128xf32, #tpu.memory_space<hbm>>) target(%arg9 : memref<125x128xf32, #tpu.memory_space<vmem>>) offsets(%dma_start3A_33 : memref<125xi32, #tpu.memory_space<vmem>>) semaphore(%arg16 : memref<!tpu.dma_semaphore, #tpu.memory_space<semaphore_mem>>)
    %scan3A = arith.constant 0 : i32
    %scan3A_37 = arith.constant 0 : i32
    %scan3A_38 = arith.constant 26 : i32
    %scan3A_39 = arith.addi %scan3A_37, %scan3A_38 : i32
    %scan3A_40 = arith.constant 1 : i32
    scf.for %scan3A_116 = %scan3A_37 to %scan3A_39 step %scan3A_40  : i32 {
      %mul3A_117 = arith.constant 3 : i32
      %mul3A_118 = arith.muli %scan3A_116, %mul3A_117 : i32
      %add3A_119 = arith.constant 0 : i32
      %add3A_120 = arith.addi %mul3A_118, %add3A_119 : i32
      %dma_wait3A_121 = arith.constant 0 : i32
      %dma_wait3A_122 = arith.constant 0 : i32
      %dma_wait3A_123 = tpu.memref_slice %arg6[%dma_wait3A_121, %dma_wait3A_122] : memref<2x125xi32, #tpu.memory_space<vmem>> -> memref<1x125xi32, #tpu.memory_space<vmem>>
      %dma_wait3A_124 = tpu.memref_squeeze %dma_wait3A_123 : memref<1x125xi32, #tpu.memory_space<vmem>> -> memref<125xi32, #tpu.memory_space<vmem>>
      %dma_wait3A_125 = arith.constant 0 : i32
      %dma_wait3A_126 = arith.constant 0 : i32
      %dma_wait3A_127 = tpu.memref_slice %arg2[%dma_wait3A_125, %dma_wait3A_126] : memref<10000x128xf32, #tpu.memory_space<hbm>> -> memref<10000x128xf32, #tpu.memory_space<hbm>>
      tpu.wait_indirect_dma semaphore(%arg16 : memref<!tpu.dma_semaphore, #tpu.memory_space<semaphore_mem>>) src(%dma_wait3A_127 : memref<10000x128xf32, #tpu.memory_space<hbm>>) dst(%arg9 : memref<125x128xf32, #tpu.memory_space<vmem>>)
      %ge3A = arith.constant 1 : i32
      %ge3A_128 = arith.cmpi sge, %add3A_120, %ge3A : i32
      %convert_element_type3A_129 = arith.extui %ge3A_128 : i1 to i32
      %cond3A_130 = arith.constant 0 : i32
      %cond3A_131 = arith.cmpi ne, %convert_element_type3A_129, %cond3A_130 : i32
      scf.if %cond3A_131 {
        %dma_wait3A_263 = arith.constant 1 : i32
        %dma_wait3A_264 = arith.constant 0 : i32
        %dma_wait3A_265 = tpu.memref_slice %arg8[%dma_wait3A_263, %dma_wait3A_264] : memref<2x125xi32, #tpu.memory_space<vmem>> -> memref<1x125xi32, #tpu.memory_space<vmem>>
        %dma_wait3A_266 = tpu.memref_squeeze %dma_wait3A_265 : memref<1x125xi32, #tpu.memory_space<vmem>> -> memref<125xi32, #tpu.memory_space<vmem>>
        %dma_wait3A_267 = arith.constant 0 : i32
        %dma_wait3A_268 = arith.constant 0 : i32
        %dma_wait3A_269 = tpu.memref_slice %arg12[%dma_wait3A_267, %dma_wait3A_268] : memref<10000x128xf32, #tpu.memory_space<vmem_shared>> -> memref<10000x128xf32, #tpu.memory_space<vmem_shared>>
        tpu.wait_indirect_dma semaphore(%arg21 : memref<!tpu.dma_semaphore, #tpu.memory_space<semaphore_mem>>) src(%arg11 : memref<125x128xf32, #tpu.memory_space<vmem>>) dst(%dma_wait3A_269 : memref<10000x128xf32, #tpu.memory_space<vmem_shared>>)
      } else {
      }
      %dma_start3A_132 = arith.constant 1 : i32
      %dma_start3A_133 = arith.constant 0 : i32
      %dma_start3A_134 = tpu.memref_slice %arg6[%dma_start3A_132, %dma_start3A_133] : memref<2x125xi32, #tpu.memory_space<vmem>> -> memref<1x125xi32, #tpu.memory_space<vmem>>
      %dma_start3A_135 = tpu.memref_squeeze %dma_start3A_134 : memref<1x125xi32, #tpu.memory_space<vmem>> -> memref<125xi32, #tpu.memory_space<vmem>>
      %dma_start3A_136 = arith.constant 0 : i32
      %dma_start3A_137 = arith.constant 0 : i32
      %dma_start3A_138 = tpu.memref_slice %arg12[%dma_start3A_136, %dma_start3A_137] : memref<10000x128xf32, #tpu.memory_space<vmem_shared>> -> memref<10000x128xf32, #tpu.memory_space<vmem_shared>>
      tpu.enqueue_indirect_dma source(%arg9 : memref<125x128xf32, #tpu.memory_space<vmem>>) target(%dma_start3A_138 : memref<10000x128xf32, #tpu.memory_space<vmem_shared>>) offsets(%dma_start3A_135 : memref<125xi32, #tpu.memory_space<vmem>>) semaphore(%arg19 : memref<!tpu.dma_semaphore, #tpu.memory_space<semaphore_mem>>) {add = true}
      %add3A_139 = arith.constant 2 : i32
      %add3A_140 = arith.addi %add3A_120, %add3A_139 : i32
      %dma_start3A_141 = arith.constant 0 : i32
      %dma_start3A_142 = arith.constant 0 : i32
      %dma_start3A_143 = tpu.memref_slice %arg3[%add3A, %add3A_140, %dma_start3A_141, %dma_start3A_142] : memref<32x80x2x125xi32, #tpu.memory_space<hbm>> -> memref<1x1x2x125xi32, #tpu.memory_space<hbm>>
      %dma_start3A_144 = tpu.memref_squeeze %dma_start3A_143 : memref<1x1x2x125xi32, #tpu.memory_space<hbm>> -> memref<2x125xi32, #tpu.memory_space<hbm>>
      %dma_start3A_145 = arith.constant 0 : i32
      %dma_start3A_146 = arith.constant 0 : i32
      %dma_start3A_147 = tpu.memref_slice %arg3[%add3A, %add3A_140, %dma_start3A_145, %dma_start3A_146] : memref<32x80x2x125xi32, #tpu.memory_space<hbm>> -> memref<1x1x2x125xi32, #tpu.memory_space<hbm>>
      %dma_start3A_148 = tpu.memref_squeeze %dma_start3A_147 : memref<1x1x2x125xi32, #tpu.memory_space<hbm>> -> memref<2x125xi32, #tpu.memory_space<hbm>>
      tpu.enqueue_dma source(%dma_start3A_148 : memref<2x125xi32, #tpu.memory_space<hbm>>) target(%arg8 : memref<2x125xi32, #tpu.memory_space<vmem>>) target_semaphore(%arg15 : memref<!tpu.dma_semaphore, #tpu.memory_space<semaphore_mem>>)
      %dma_wait3A_149 = arith.constant 0 : i32
      %dma_wait3A_150 = arith.constant 0 : i32
      %dma_wait3A_151 = arith.constant 0 : i32
      %dma_wait3A_152 = tpu.memref_slice %arg3[%add3A, %dma_wait3A_149, %dma_wait3A_150, %dma_wait3A_151] : memref<32x80x2x125xi32, #tpu.memory_space<hbm>> -> memref<1x1x2x125xi32, #tpu.memory_space<hbm>>
      %dma_wait3A_153 = tpu.memref_squeeze %dma_wait3A_152 : memref<1x1x2x125xi32, #tpu.memory_space<hbm>> -> memref<2x125xi32, #tpu.memory_space<hbm>>
      %dma_wait3A_154 = arith.constant 0 : i32
      %dma_wait3A_155 = arith.constant 0 : i32
      %dma_wait3A_156 = tpu.memref_slice %arg3[%add3A, %dma_wait3A_149, %dma_wait3A_154, %dma_wait3A_155] : memref<32x80x2x125xi32, #tpu.memory_space<hbm>> -> memref<1x1x2x125xi32, #tpu.memory_space<hbm>>
      %dma_wait3A_157 = tpu.memref_squeeze %dma_wait3A_156 : memref<1x1x2x125xi32, #tpu.memory_space<hbm>> -> memref<2x125xi32, #tpu.memory_space<hbm>>
      tpu.wait_dma2 semaphore(%arg14 : memref<!tpu.dma_semaphore, #tpu.memory_space<semaphore_mem>>) src(%dma_wait3A_157 : memref<2x125xi32, #tpu.memory_space<hbm>>) dst(%arg7 : memref<2x125xi32, #tpu.memory_space<vmem>>)
      %dma_start3A_158 = arith.constant 0 : i32
      %dma_start3A_159 = arith.constant 0 : i32
      %dma_start3A_160 = tpu.memref_slice %arg7[%dma_start3A_158, %dma_start3A_159] : memref<2x125xi32, #tpu.memory_space<vmem>> -> memref<1x125xi32, #tpu.memory_space<vmem>>
      %dma_start3A_161 = tpu.memref_squeeze %dma_start3A_160 : memref<1x125xi32, #tpu.memory_space<vmem>> -> memref<125xi32, #tpu.memory_space<vmem>>
      %dma_start3A_162 = arith.constant 0 : i32
      %dma_start3A_163 = arith.constant 0 : i32
      %dma_start3A_164 = tpu.memref_slice %arg2[%dma_start3A_162, %dma_start3A_163] : memref<10000x128xf32, #tpu.memory_space<hbm>> -> memref<10000x128xf32, #tpu.memory_space<hbm>>
      tpu.enqueue_indirect_dma source(%dma_start3A_164 : memref<10000x128xf32, #tpu.memory_space<hbm>>) target(%arg10 : memref<125x128xf32, #tpu.memory_space<vmem>>) offsets(%dma_start3A_161 : memref<125xi32, #tpu.memory_space<vmem>>) semaphore(%arg17 : memref<!tpu.dma_semaphore, #tpu.memory_space<semaphore_mem>>)
      %mul3A_165 = arith.constant 3 : i32
      %mul3A_166 = arith.muli %scan3A_116, %mul3A_165 : i32
      %add3A_167 = arith.constant 1 : i32
      %add3A_168 = arith.addi %mul3A_166, %add3A_167 : i32
      %dma_wait3A_169 = arith.constant 0 : i32
      %dma_wait3A_170 = arith.constant 0 : i32
      %dma_wait3A_171 = tpu.memref_slice %arg7[%dma_wait3A_169, %dma_wait3A_170] : memref<2x125xi32, #tpu.memory_space<vmem>> -> memref<1x125xi32, #tpu.memory_space<vmem>>
      %dma_wait3A_172 = tpu.memref_squeeze %dma_wait3A_171 : memref<1x125xi32, #tpu.memory_space<vmem>> -> memref<125xi32, #tpu.memory_space<vmem>>
      %dma_wait3A_173 = arith.constant 0 : i32
      %dma_wait3A_174 = arith.constant 0 : i32
      %dma_wait3A_175 = tpu.memref_slice %arg2[%dma_wait3A_173, %dma_wait3A_174] : memref<10000x128xf32, #tpu.memory_space<hbm>> -> memref<10000x128xf32, #tpu.memory_space<hbm>>
      tpu.wait_indirect_dma semaphore(%arg17 : memref<!tpu.dma_semaphore, #tpu.memory_space<semaphore_mem>>) src(%dma_wait3A_175 : memref<10000x128xf32, #tpu.memory_space<hbm>>) dst(%arg10 : memref<125x128xf32, #tpu.memory_space<vmem>>)
      %ge3A_176 = arith.constant 1 : i32
      %ge3A_177 = arith.cmpi sge, %add3A_168, %ge3A_176 : i32
      %convert_element_type3A_178 = arith.extui %ge3A_177 : i1 to i32
      %cond3A_179 = arith.constant 0 : i32
      %cond3A_180 = arith.cmpi ne, %convert_element_type3A_178, %cond3A_179 : i32
      scf.if %cond3A_180 {
        %dma_wait3A_263 = arith.constant 1 : i32
        %dma_wait3A_264 = arith.constant 0 : i32
        %dma_wait3A_265 = tpu.memref_slice %arg6[%dma_wait3A_263, %dma_wait3A_264] : memref<2x125xi32, #tpu.memory_space<vmem>> -> memref<1x125xi32, #tpu.memory_space<vmem>>
        %dma_wait3A_266 = tpu.memref_squeeze %dma_wait3A_265 : memref<1x125xi32, #tpu.memory_space<vmem>> -> memref<125xi32, #tpu.memory_space<vmem>>
        %dma_wait3A_267 = arith.constant 0 : i32
        %dma_wait3A_268 = arith.constant 0 : i32
        %dma_wait3A_269 = tpu.memref_slice %arg12[%dma_wait3A_267, %dma_wait3A_268] : memref<10000x128xf32, #tpu.memory_space<vmem_shared>> -> memref<10000x128xf32, #tpu.memory_space<vmem_shared>>
        tpu.wait_indirect_dma semaphore(%arg19 : memref<!tpu.dma_semaphore, #tpu.memory_space<semaphore_mem>>) src(%arg9 : memref<125x128xf32, #tpu.memory_space<vmem>>) dst(%dma_wait3A_269 : memref<10000x128xf32, #tpu.memory_space<vmem_shared>>)
      } else {
      }
      %dma_start3A_181 = arith.constant 1 : i32
      %dma_start3A_182 = arith.constant 0 : i32
      %dma_start3A_183 = tpu.memref_slice %arg7[%dma_start3A_181, %dma_start3A_182] : memref<2x125xi32, #tpu.memory_space<vmem>> -> memref<1x125xi32, #tpu.memory_space<vmem>>
      %dma_start3A_184 = tpu.memref_squeeze %dma_start3A_183 : memref<1x125xi32, #tpu.memory_space<vmem>> -> memref<125xi32, #tpu.memory_space<vmem>>
      %dma_start3A_185 = arith.constant 0 : i32
      %dma_start3A_186 = arith.constant 0 : i32
      %dma_start3A_187 = tpu.memref_slice %arg12[%dma_start3A_185, %dma_start3A_186] : memref<10000x128xf32, #tpu.memory_space<vmem_shared>> -> memref<10000x128xf32, #tpu.memory_space<vmem_shared>>
      tpu.enqueue_indirect_dma source(%arg10 : memref<125x128xf32, #tpu.memory_space<vmem>>) target(%dma_start3A_187 : memref<10000x128xf32, #tpu.memory_space<vmem_shared>>) offsets(%dma_start3A_184 : memref<125xi32, #tpu.memory_space<vmem>>) semaphore(%arg20 : memref<!tpu.dma_semaphore, #tpu.memory_space<semaphore_mem>>) {add = true}
      %add3A_188 = arith.constant 2 : i32
      %add3A_189 = arith.addi %add3A_168, %add3A_188 : i32
      %dma_start3A_190 = arith.constant 0 : i32
      %dma_start3A_191 = arith.constant 0 : i32
      %dma_start3A_192 = tpu.memref_slice %arg3[%add3A, %add3A_189, %dma_start3A_190, %dma_start3A_191] : memref<32x80x2x125xi32, #tpu.memory_space<hbm>> -> memref<1x1x2x125xi32, #tpu.memory_space<hbm>>
      %dma_start3A_193 = tpu.memref_squeeze %dma_start3A_192 : memref<1x1x2x125xi32, #tpu.memory_space<hbm>> -> memref<2x125xi32, #tpu.memory_space<hbm>>
      %dma_start3A_194 = arith.constant 0 : i32
      %dma_start3A_195 = arith.constant 0 : i32
      %dma_start3A_196 = tpu.memref_slice %arg3[%add3A, %add3A_189, %dma_start3A_194, %dma_start3A_195] : memref<32x80x2x125xi32, #tpu.memory_space<hbm>> -> memref<1x1x2x125xi32, #tpu.memory_space<hbm>>
      %dma_start3A_197 = tpu.memref_squeeze %dma_start3A_196 : memref<1x1x2x125xi32, #tpu.memory_space<hbm>> -> memref<2x125xi32, #tpu.memory_space<hbm>>
      tpu.enqueue_dma source(%dma_start3A_197 : memref<2x125xi32, #tpu.memory_space<hbm>>) target(%arg6 : memref<2x125xi32, #tpu.memory_space<vmem>>) target_semaphore(%arg13 : memref<!tpu.dma_semaphore, #tpu.memory_space<semaphore_mem>>)
      %dma_wait3A_198 = arith.constant 0 : i32
      %dma_wait3A_199 = arith.constant 0 : i32
      %dma_wait3A_200 = arith.constant 0 : i32
      %dma_wait3A_201 = tpu.memref_slice %arg3[%add3A, %dma_wait3A_198, %dma_wait3A_199, %dma_wait3A_200] : memref<32x80x2x125xi32, #tpu.memory_space<hbm>> -> memref<1x1x2x125xi32, #tpu.memory_space<hbm>>
      %dma_wait3A_202 = tpu.memref_squeeze %dma_wait3A_201 : memref<1x1x2x125xi32, #tpu.memory_space<hbm>> -> memref<2x125xi32, #tpu.memory_space<hbm>>
      %dma_wait3A_203 = arith.constant 0 : i32
      %dma_wait3A_204 = arith.constant 0 : i32
      %dma_wait3A_205 = tpu.memref_slice %arg3[%add3A, %dma_wait3A_198, %dma_wait3A_203, %dma_wait3A_204] : memref<32x80x2x125xi32, #tpu.memory_space<hbm>> -> memref<1x1x2x125xi32, #tpu.memory_space<hbm>>
      %dma_wait3A_206 = tpu.memref_squeeze %dma_wait3A_205 : memref<1x1x2x125xi32, #tpu.memory_space<hbm>> -> memref<2x125xi32, #tpu.memory_space<hbm>>
      tpu.wait_dma2 semaphore(%arg15 : memref<!tpu.dma_semaphore, #tpu.memory_space<semaphore_mem>>) src(%dma_wait3A_206 : memref<2x125xi32, #tpu.memory_space<hbm>>) dst(%arg8 : memref<2x125xi32, #tpu.memory_space<vmem>>)
      %dma_start3A_207 = arith.constant 0 : i32
      %dma_start3A_208 = arith.constant 0 : i32
      %dma_start3A_209 = tpu.memref_slice %arg8[%dma_start3A_207, %dma_start3A_208] : memref<2x125xi32, #tpu.memory_space<vmem>> -> memref<1x125xi32, #tpu.memory_space<vmem>>
      %dma_start3A_210 = tpu.memref_squeeze %dma_start3A_209 : memref<1x125xi32, #tpu.memory_space<vmem>> -> memref<125xi32, #tpu.memory_space<vmem>>
      %dma_start3A_211 = arith.constant 0 : i32
      %dma_start3A_212 = arith.constant 0 : i32
      %dma_start3A_213 = tpu.memref_slice %arg2[%dma_start3A_211, %dma_start3A_212] : memref<10000x128xf32, #tpu.memory_space<hbm>> -> memref<10000x128xf32, #tpu.memory_space<hbm>>
      tpu.enqueue_indirect_dma source(%dma_start3A_213 : memref<10000x128xf32, #tpu.memory_space<hbm>>) target(%arg11 : memref<125x128xf32, #tpu.memory_space<vmem>>) offsets(%dma_start3A_210 : memref<125xi32, #tpu.memory_space<vmem>>) semaphore(%arg18 : memref<!tpu.dma_semaphore, #tpu.memory_space<semaphore_mem>>)
      %mul3A_214 = arith.constant 3 : i32
      %mul3A_215 = arith.muli %scan3A_116, %mul3A_214 : i32
      %add3A_216 = arith.constant 2 : i32
      %add3A_217 = arith.addi %mul3A_215, %add3A_216 : i32
      %dma_wait3A_218 = arith.constant 0 : i32
      %dma_wait3A_219 = arith.constant 0 : i32
      %dma_wait3A_220 = tpu.memref_slice %arg8[%dma_wait3A_218, %dma_wait3A_219] : memref<2x125xi32, #tpu.memory_space<vmem>> -> memref<1x125xi32, #tpu.memory_space<vmem>>
      %dma_wait3A_221 = tpu.memref_squeeze %dma_wait3A_220 : memref<1x125xi32, #tpu.memory_space<vmem>> -> memref<125xi32, #tpu.memory_space<vmem>>
      %dma_wait3A_222 = arith.constant 0 : i32
      %dma_wait3A_223 = arith.constant 0 : i32
      %dma_wait3A_224 = tpu.memref_slice %arg2[%dma_wait3A_222, %dma_wait3A_223] : memref<10000x128xf32, #tpu.memory_space<hbm>> -> memref<10000x128xf32, #tpu.memory_space<hbm>>
      tpu.wait_indirect_dma semaphore(%arg18 : memref<!tpu.dma_semaphore, #tpu.memory_space<semaphore_mem>>) src(%dma_wait3A_224 : memref<10000x128xf32, #tpu.memory_space<hbm>>) dst(%arg11 : memref<125x128xf32, #tpu.memory_space<vmem>>)
      %ge3A_225 = arith.constant 1 : i32
      %ge3A_226 = arith.cmpi sge, %add3A_217, %ge3A_225 : i32
      %convert_element_type3A_227 = arith.extui %ge3A_226 : i1 to i32
      %cond3A_228 = arith.constant 0 : i32
      %cond3A_229 = arith.cmpi ne, %convert_element_type3A_227, %cond3A_228 : i32
      scf.if %cond3A_229 {
        %dma_wait3A_263 = arith.constant 1 : i32
        %dma_wait3A_264 = arith.constant 0 : i32
        %dma_wait3A_265 = tpu.memref_slice %arg7[%dma_wait3A_263, %dma_wait3A_264] : memref<2x125xi32, #tpu.memory_space<vmem>> -> memref<1x125xi32, #tpu.memory_space<vmem>>
        %dma_wait3A_266 = tpu.memref_squeeze %dma_wait3A_265 : memref<1x125xi32, #tpu.memory_space<vmem>> -> memref<125xi32, #tpu.memory_space<vmem>>
        %dma_wait3A_267 = arith.constant 0 : i32
        %dma_wait3A_268 = arith.constant 0 : i32
        %dma_wait3A_269 = tpu.memref_slice %arg12[%dma_wait3A_267, %dma_wait3A_268] : memref<10000x128xf32, #tpu.memory_space<vmem_shared>> -> memref<10000x128xf32, #tpu.memory_space<vmem_shared>>
        tpu.wait_indirect_dma semaphore(%arg20 : memref<!tpu.dma_semaphore, #tpu.memory_space<semaphore_mem>>) src(%arg10 : memref<125x128xf32, #tpu.memory_space<vmem>>) dst(%dma_wait3A_269 : memref<10000x128xf32, #tpu.memory_space<vmem_shared>>)
      } else {
      }
      %dma_start3A_230 = arith.constant 1 : i32
      %dma_start3A_231 = arith.constant 0 : i32
      %dma_start3A_232 = tpu.memref_slice %arg8[%dma_start3A_230, %dma_start3A_231] : memref<2x125xi32, #tpu.memory_space<vmem>> -> memref<1x125xi32, #tpu.memory_space<vmem>>
      %dma_start3A_233 = tpu.memref_squeeze %dma_start3A_232 : memref<1x125xi32, #tpu.memory_space<vmem>> -> memref<125xi32, #tpu.memory_space<vmem>>
      %dma_start3A_234 = arith.constant 0 : i32
      %dma_start3A_235 = arith.constant 0 : i32
      %dma_start3A_236 = tpu.memref_slice %arg12[%dma_start3A_234, %dma_start3A_235] : memref<10000x128xf32, #tpu.memory_space<vmem_shared>> -> memref<10000x128xf32, #tpu.memory_space<vmem_shared>>
      tpu.enqueue_indirect_dma source(%arg11 : memref<125x128xf32, #tpu.memory_space<vmem>>) target(%dma_start3A_236 : memref<10000x128xf32, #tpu.memory_space<vmem_shared>>) offsets(%dma_start3A_233 : memref<125xi32, #tpu.memory_space<vmem>>) semaphore(%arg21 : memref<!tpu.dma_semaphore, #tpu.memory_space<semaphore_mem>>) {add = true}
      %add3A_237 = arith.constant 2 : i32
      %add3A_238 = arith.addi %add3A_217, %add3A_237 : i32
      %dma_start3A_239 = arith.constant 0 : i32
      %dma_start3A_240 = arith.constant 0 : i32
      %dma_start3A_241 = tpu.memref_slice %arg3[%add3A, %add3A_238, %dma_start3A_239, %dma_start3A_240] : memref<32x80x2x125xi32, #tpu.memory_space<hbm>> -> memref<1x1x2x125xi32, #tpu.memory_space<hbm>>
      %dma_start3A_242 = tpu.memref_squeeze %dma_start3A_241 : memref<1x1x2x125xi32, #tpu.memory_space<hbm>> -> memref<2x125xi32, #tpu.memory_space<hbm>>
      %dma_start3A_243 = arith.constant 0 : i32
      %dma_start3A_244 = arith.constant 0 : i32
      %dma_start3A_245 = tpu.memref_slice %arg3[%add3A, %add3A_238, %dma_start3A_243, %dma_start3A_244] : memref<32x80x2x125xi32, #tpu.memory_space<hbm>> -> memref<1x1x2x125xi32, #tpu.memory_space<hbm>>
      %dma_start3A_246 = tpu.memref_squeeze %dma_start3A_245 : memref<1x1x2x125xi32, #tpu.memory_space<hbm>> -> memref<2x125xi32, #tpu.memory_space<hbm>>
      tpu.enqueue_dma source(%dma_start3A_246 : memref<2x125xi32, #tpu.memory_space<hbm>>) target(%arg7 : memref<2x125xi32, #tpu.memory_space<vmem>>) target_semaphore(%arg14 : memref<!tpu.dma_semaphore, #tpu.memory_space<semaphore_mem>>)
      %dma_wait3A_247 = arith.constant 0 : i32
      %dma_wait3A_248 = arith.constant 0 : i32
      %dma_wait3A_249 = arith.constant 0 : i32
      %dma_wait3A_250 = tpu.memref_slice %arg3[%add3A, %dma_wait3A_247, %dma_wait3A_248, %dma_wait3A_249] : memref<32x80x2x125xi32, #tpu.memory_space<hbm>> -> memref<1x1x2x125xi32, #tpu.memory_space<hbm>>
      %dma_wait3A_251 = tpu.memref_squeeze %dma_wait3A_250 : memref<1x1x2x125xi32, #tpu.memory_space<hbm>> -> memref<2x125xi32, #tpu.memory_space<hbm>>
      %dma_wait3A_252 = arith.constant 0 : i32
      %dma_wait3A_253 = arith.constant 0 : i32
      %dma_wait3A_254 = tpu.memref_slice %arg3[%add3A, %dma_wait3A_247, %dma_wait3A_252, %dma_wait3A_253] : memref<32x80x2x125xi32, #tpu.memory_space<hbm>> -> memref<1x1x2x125xi32, #tpu.memory_space<hbm>>
      %dma_wait3A_255 = tpu.memref_squeeze %dma_wait3A_254 : memref<1x1x2x125xi32, #tpu.memory_space<hbm>> -> memref<2x125xi32, #tpu.memory_space<hbm>>
      tpu.wait_dma2 semaphore(%arg13 : memref<!tpu.dma_semaphore, #tpu.memory_space<semaphore_mem>>) src(%dma_wait3A_255 : memref<2x125xi32, #tpu.memory_space<hbm>>) dst(%arg6 : memref<2x125xi32, #tpu.memory_space<vmem>>)
      %dma_start3A_256 = arith.constant 0 : i32
      %dma_start3A_257 = arith.constant 0 : i32
      %dma_start3A_258 = tpu.memref_slice %arg6[%dma_start3A_256, %dma_start3A_257] : memref<2x125xi32, #tpu.memory_space<vmem>> -> memref<1x125xi32, #tpu.memory_space<vmem>>
      %dma_start3A_259 = tpu.memref_squeeze %dma_start3A_258 : memref<1x125xi32, #tpu.memory_space<vmem>> -> memref<125xi32, #tpu.memory_space<vmem>>
      %dma_start3A_260 = arith.constant 0 : i32
      %dma_start3A_261 = arith.constant 0 : i32
      %dma_start3A_262 = tpu.memref_slice %arg2[%dma_start3A_260, %dma_start3A_261] : memref<10000x128xf32, #tpu.memory_space<hbm>> -> memref<10000x128xf32, #tpu.memory_space<hbm>>
      tpu.enqueue_indirect_dma source(%dma_start3A_262 : memref<10000x128xf32, #tpu.memory_space<hbm>>) target(%arg9 : memref<125x128xf32, #tpu.memory_space<vmem>>) offsets(%dma_start3A_259 : memref<125xi32, #tpu.memory_space<vmem>>) semaphore(%arg16 : memref<!tpu.dma_semaphore, #tpu.memory_space<semaphore_mem>>)
    }
    %scan3A_41 = arith.constant 26 : i32
    %dma_wait3A_42 = arith.constant 0 : i32
    %dma_wait3A_43 = arith.constant 0 : i32
    %dma_wait3A_44 = tpu.memref_slice %arg6[%dma_wait3A_42, %dma_wait3A_43] : memref<2x125xi32, #tpu.memory_space<vmem>> -> memref<1x125xi32, #tpu.memory_space<vmem>>
    %dma_wait3A_45 = tpu.memref_squeeze %dma_wait3A_44 : memref<1x125xi32, #tpu.memory_space<vmem>> -> memref<125xi32, #tpu.memory_space<vmem>>
    %dma_wait3A_46 = arith.constant 0 : i32
    %dma_wait3A_47 = arith.constant 0 : i32
    %dma_wait3A_48 = tpu.memref_slice %arg2[%dma_wait3A_46, %dma_wait3A_47] : memref<10000x128xf32, #tpu.memory_space<hbm>> -> memref<10000x128xf32, #tpu.memory_space<hbm>>
    tpu.wait_indirect_dma semaphore(%arg16 : memref<!tpu.dma_semaphore, #tpu.memory_space<semaphore_mem>>) src(%dma_wait3A_48 : memref<10000x128xf32, #tpu.memory_space<hbm>>) dst(%arg9 : memref<125x128xf32, #tpu.memory_space<vmem>>)
    %dma_wait3A_49 = arith.constant 1 : i32
    %dma_wait3A_50 = arith.constant 0 : i32
    %dma_wait3A_51 = tpu.memref_slice %arg8[%dma_wait3A_49, %dma_wait3A_50] : memref<2x125xi32, #tpu.memory_space<vmem>> -> memref<1x125xi32, #tpu.memory_space<vmem>>
    %dma_wait3A_52 = tpu.memref_squeeze %dma_wait3A_51 : memref<1x125xi32, #tpu.memory_space<vmem>> -> memref<125xi32, #tpu.memory_space<vmem>>
    %dma_wait3A_53 = arith.constant 0 : i32
    %dma_wait3A_54 = arith.constant 0 : i32
    %dma_wait3A_55 = tpu.memref_slice %arg12[%dma_wait3A_53, %dma_wait3A_54] : memref<10000x128xf32, #tpu.memory_space<vmem_shared>> -> memref<10000x128xf32, #tpu.memory_space<vmem_shared>>
    tpu.wait_indirect_dma semaphore(%arg21 : memref<!tpu.dma_semaphore, #tpu.memory_space<semaphore_mem>>) src(%arg11 : memref<125x128xf32, #tpu.memory_space<vmem>>) dst(%dma_wait3A_55 : memref<10000x128xf32, #tpu.memory_space<vmem_shared>>)
    %dma_start3A_56 = arith.constant 1 : i32
    %dma_start3A_57 = arith.constant 0 : i32
    %dma_start3A_58 = tpu.memref_slice %arg6[%dma_start3A_56, %dma_start3A_57] : memref<2x125xi32, #tpu.memory_space<vmem>> -> memref<1x125xi32, #tpu.memory_space<vmem>>
    %dma_start3A_59 = tpu.memref_squeeze %dma_start3A_58 : memref<1x125xi32, #tpu.memory_space<vmem>> -> memref<125xi32, #tpu.memory_space<vmem>>
    %dma_start3A_60 = arith.constant 0 : i32
    %dma_start3A_61 = arith.constant 0 : i32
    %dma_start3A_62 = tpu.memref_slice %arg12[%dma_start3A_60, %dma_start3A_61] : memref<10000x128xf32, #tpu.memory_space<vmem_shared>> -> memref<10000x128xf32, #tpu.memory_space<vmem_shared>>
    tpu.enqueue_indirect_dma source(%arg9 : memref<125x128xf32, #tpu.memory_space<vmem>>) target(%dma_start3A_62 : memref<10000x128xf32, #tpu.memory_space<vmem_shared>>) offsets(%dma_start3A_59 : memref<125xi32, #tpu.memory_space<vmem>>) semaphore(%arg19 : memref<!tpu.dma_semaphore, #tpu.memory_space<semaphore_mem>>) {add = true}
    %dma_wait3A_63 = arith.constant 0 : i32
    %dma_wait3A_64 = arith.constant 0 : i32
    %dma_wait3A_65 = arith.constant 0 : i32
    %dma_wait3A_66 = tpu.memref_slice %arg3[%add3A, %dma_wait3A_63, %dma_wait3A_64, %dma_wait3A_65] : memref<32x80x2x125xi32, #tpu.memory_space<hbm>> -> memref<1x1x2x125xi32, #tpu.memory_space<hbm>>
    %dma_wait3A_67 = tpu.memref_squeeze %dma_wait3A_66 : memref<1x1x2x125xi32, #tpu.memory_space<hbm>> -> memref<2x125xi32, #tpu.memory_space<hbm>>
    %dma_wait3A_68 = arith.constant 0 : i32
    %dma_wait3A_69 = arith.constant 0 : i32
    %dma_wait3A_70 = tpu.memref_slice %arg3[%add3A, %dma_wait3A_63, %dma_wait3A_68, %dma_wait3A_69] : memref<32x80x2x125xi32, #tpu.memory_space<hbm>> -> memref<1x1x2x125xi32, #tpu.memory_space<hbm>>
    %dma_wait3A_71 = tpu.memref_squeeze %dma_wait3A_70 : memref<1x1x2x125xi32, #tpu.memory_space<hbm>> -> memref<2x125xi32, #tpu.memory_space<hbm>>
    tpu.wait_dma2 semaphore(%arg14 : memref<!tpu.dma_semaphore, #tpu.memory_space<semaphore_mem>>) src(%dma_wait3A_71 : memref<2x125xi32, #tpu.memory_space<hbm>>) dst(%arg7 : memref<2x125xi32, #tpu.memory_space<vmem>>)
    %dma_start3A_72 = arith.constant 0 : i32
    %dma_start3A_73 = arith.constant 0 : i32
    %dma_start3A_74 = tpu.memref_slice %arg7[%dma_start3A_72, %dma_start3A_73] : memref<2x125xi32, #tpu.memory_space<vmem>> -> memref<1x125xi32, #tpu.memory_space<vmem>>
    %dma_start3A_75 = tpu.memref_squeeze %dma_start3A_74 : memref<1x125xi32, #tpu.memory_space<vmem>> -> memref<125xi32, #tpu.memory_space<vmem>>
    %dma_start3A_76 = arith.constant 0 : i32
    %dma_start3A_77 = arith.constant 0 : i32
    %dma_start3A_78 = tpu.memref_slice %arg2[%dma_start3A_76, %dma_start3A_77] : memref<10000x128xf32, #tpu.memory_space<hbm>> -> memref<10000x128xf32, #tpu.memory_space<hbm>>
    tpu.enqueue_indirect_dma source(%dma_start3A_78 : memref<10000x128xf32, #tpu.memory_space<hbm>>) target(%arg10 : memref<125x128xf32, #tpu.memory_space<vmem>>) offsets(%dma_start3A_75 : memref<125xi32, #tpu.memory_space<vmem>>) semaphore(%arg17 : memref<!tpu.dma_semaphore, #tpu.memory_space<semaphore_mem>>)
    %dma_wait3A_79 = arith.constant 0 : i32
    %dma_wait3A_80 = arith.constant 0 : i32
    %dma_wait3A_81 = tpu.memref_slice %arg7[%dma_wait3A_79, %dma_wait3A_80] : memref<2x125xi32, #tpu.memory_space<vmem>> -> memref<1x125xi32, #tpu.memory_space<vmem>>
    %dma_wait3A_82 = tpu.memref_squeeze %dma_wait3A_81 : memref<1x125xi32, #tpu.memory_space<vmem>> -> memref<125xi32, #tpu.memory_space<vmem>>
    %dma_wait3A_83 = arith.constant 0 : i32
    %dma_wait3A_84 = arith.constant 0 : i32
    %dma_wait3A_85 = tpu.memref_slice %arg2[%dma_wait3A_83, %dma_wait3A_84] : memref<10000x128xf32, #tpu.memory_space<hbm>> -> memref<10000x128xf32, #tpu.memory_space<hbm>>
    tpu.wait_indirect_dma semaphore(%arg17 : memref<!tpu.dma_semaphore, #tpu.memory_space<semaphore_mem>>) src(%dma_wait3A_85 : memref<10000x128xf32, #tpu.memory_space<hbm>>) dst(%arg10 : memref<125x128xf32, #tpu.memory_space<vmem>>)
    %dma_wait3A_86 = arith.constant 1 : i32
    %dma_wait3A_87 = arith.constant 0 : i32
    %dma_wait3A_88 = tpu.memref_slice %arg6[%dma_wait3A_86, %dma_wait3A_87] : memref<2x125xi32, #tpu.memory_space<vmem>> -> memref<1x125xi32, #tpu.memory_space<vmem>>
    %dma_wait3A_89 = tpu.memref_squeeze %dma_wait3A_88 : memref<1x125xi32, #tpu.memory_space<vmem>> -> memref<125xi32, #tpu.memory_space<vmem>>
    %dma_wait3A_90 = arith.constant 0 : i32
    %dma_wait3A_91 = arith.constant 0 : i32
    %dma_wait3A_92 = tpu.memref_slice %arg12[%dma_wait3A_90, %dma_wait3A_91] : memref<10000x128xf32, #tpu.memory_space<vmem_shared>> -> memref<10000x128xf32, #tpu.memory_space<vmem_shared>>
    tpu.wait_indirect_dma semaphore(%arg19 : memref<!tpu.dma_semaphore, #tpu.memory_space<semaphore_mem>>) src(%arg9 : memref<125x128xf32, #tpu.memory_space<vmem>>) dst(%dma_wait3A_92 : memref<10000x128xf32, #tpu.memory_space<vmem_shared>>)
    %dma_start3A_93 = arith.constant 1 : i32
    %dma_start3A_94 = arith.constant 0 : i32
    %dma_start3A_95 = tpu.memref_slice %arg7[%dma_start3A_93, %dma_start3A_94] : memref<2x125xi32, #tpu.memory_space<vmem>> -> memref<1x125xi32, #tpu.memory_space<vmem>>
    %dma_start3A_96 = tpu.memref_squeeze %dma_start3A_95 : memref<1x125xi32, #tpu.memory_space<vmem>> -> memref<125xi32, #tpu.memory_space<vmem>>
    %dma_start3A_97 = arith.constant 0 : i32
    %dma_start3A_98 = arith.constant 0 : i32
    %dma_start3A_99 = tpu.memref_slice %arg12[%dma_start3A_97, %dma_start3A_98] : memref<10000x128xf32, #tpu.memory_space<vmem_shared>> -> memref<10000x128xf32, #tpu.memory_space<vmem_shared>>
    tpu.enqueue_indirect_dma source(%arg10 : memref<125x128xf32, #tpu.memory_space<vmem>>) target(%dma_start3A_99 : memref<10000x128xf32, #tpu.memory_space<vmem_shared>>) offsets(%dma_start3A_96 : memref<125xi32, #tpu.memory_space<vmem>>) semaphore(%arg20 : memref<!tpu.dma_semaphore, #tpu.memory_space<semaphore_mem>>) {add = true}
    %dma_wait3A_100 = arith.constant 1 : i32
    %dma_wait3A_101 = arith.constant 0 : i32
    %dma_wait3A_102 = tpu.memref_slice %arg7[%dma_wait3A_100, %dma_wait3A_101] : memref<2x125xi32, #tpu.memory_space<vmem>> -> memref<1x125xi32, #tpu.memory_space<vmem>>
    %dma_wait3A_103 = tpu.memref_squeeze %dma_wait3A_102 : memref<1x125xi32, #tpu.memory_space<vmem>> -> memref<125xi32, #tpu.memory_space<vmem>>
    %dma_wait3A_104 = arith.constant 0 : i32
    %dma_wait3A_105 = arith.constant 0 : i32
    %dma_wait3A_106 = tpu.memref_slice %arg12[%dma_wait3A_104, %dma_wait3A_105] : memref<10000x128xf32, #tpu.memory_space<vmem_shared>> -> memref<10000x128xf32, #tpu.memory_space<vmem_shared>>
    tpu.wait_indirect_dma semaphore(%arg20 : memref<!tpu.dma_semaphore, #tpu.memory_space<semaphore_mem>>) src(%arg10 : memref<125x128xf32, #tpu.memory_space<vmem>>) dst(%dma_wait3A_106 : memref<10000x128xf32, #tpu.memory_space<vmem_shared>>)
    %barrier3A_107 = arith.constant 0 : index
    tpu.barrier barrier_id(%barrier3A_107)
    %mul3A_108 = arith.constant 10000 : i32
    %mul3A_109 = arith.muli %arg0, %mul3A_108 : i32
    %add3A_110 = arith.addi %mul3A_109, %mul3A_19 : i32
    "tpu.region"() ({
      %run_scoped3A = tpu.sem_alloc : memref<!tpu.dma_semaphore, #tpu.memory_space<semaphore_mem>>
      %dma_start3A_116 = arith.constant 0 : i32
      %dma_start3A_117 = tpu.memref_slice %arg5[%add3A_110, %dma_start3A_116] : memref<20000x128xf32, #tpu.memory_space<hbm>> -> memref<624x128xf32, #tpu.memory_space<hbm>>
      %dma_start3A_118 = arith.constant 0 : i32
      %dma_start3A_119 = tpu.memref_slice %arg12[%mul3A_19, %dma_start3A_118] : memref<10000x128xf32, #tpu.memory_space<vmem_shared>> -> memref<624x128xf32, #tpu.memory_space<vmem_shared>>
      tpu.enqueue_dma source(%dma_start3A_119 : memref<624x128xf32, #tpu.memory_space<vmem_shared>>) target(%dma_start3A_117 : memref<624x128xf32, #tpu.memory_space<hbm>>) target_semaphore(%run_scoped3A : memref<!tpu.dma_semaphore, #tpu.memory_space<semaphore_mem>>)
      %dma_wait3A_120 = arith.constant 0 : i32
      %dma_wait3A_121 = tpu.memref_slice %arg5[%add3A_110, %dma_wait3A_120] : memref<20000x128xf32, #tpu.memory_space<hbm>> -> memref<624x128xf32, #tpu.memory_space<hbm>>
      %dma_wait3A_122 = arith.constant 0 : i32
      %dma_wait3A_123 = tpu.memref_slice %arg12[%mul3A_19, %dma_wait3A_122] : memref<10000x128xf32, #tpu.memory_space<vmem_shared>> -> memref<624x128xf32, #tpu.memory_space<vmem_shared>>
      tpu.wait_dma2 semaphore(%run_scoped3A : memref<!tpu.dma_semaphore, #tpu.memory_space<semaphore_mem>>) src(%dma_wait3A_123 : memref<624x128xf32, #tpu.memory_space<vmem_shared>>) dst(%dma_wait3A_121 : memref<624x128xf32, #tpu.memory_space<hbm>>)
      tpu.yield
    }) : () -> ()
    %eq3A_111 = arith.constant 15 : i32
    %eq3A_112 = arith.cmpi eq, %arg1, %eq3A_111 : i32
    %convert_element_type3A_113 = arith.extui %eq3A_112 : i1 to i32
    %cond3A_114 = arith.constant 0 : i32
    %cond3A_115 = arith.cmpi ne, %convert_element_type3A_113, %cond3A_114 : i32
    scf.if %cond3A_115 {
      %mul3A_116 = arith.constant 10000 : i32
      %mul3A_117 = arith.muli %arg0, %mul3A_116 : i32
      %add3A_118 = arith.constant 10000 : i32
      %add3A_119 = arith.addi %mul3A_117, %add3A_118 : i32
      %sub3A = arith.constant 640 : i32
      %sub3A_120 = arith.subi %add3A_119, %sub3A : i32
      "tpu.region"() ({
        %run_scoped3A = tpu.sem_alloc : memref<!tpu.dma_semaphore, #tpu.memory_space<semaphore_mem>>
        %dma_start3A_121 = arith.constant 0 : i32
        %dma_start3A_122 = tpu.memref_slice %arg5[%sub3A_120, %dma_start3A_121] : memref<20000x128xf32, #tpu.memory_space<hbm>> -> memref<640x128xf32, #tpu.memory_space<hbm>>
        %dma_start3A_123 = arith.constant 9360 : i32
        %dma_start3A_124 = arith.constant 0 : i32
        %dma_start3A_125 = tpu.memref_slice %arg12[%dma_start3A_123, %dma_start3A_124] : memref<10000x128xf32, #tpu.memory_space<vmem_shared>> -> memref<640x128xf32, #tpu.memory_space<vmem_shared>>
        tpu.enqueue_dma source(%dma_start3A_125 : memref<640x128xf32, #tpu.memory_space<vmem_shared>>) target(%dma_start3A_122 : memref<640x128xf32, #tpu.memory_space<hbm>>) target_semaphore(%run_scoped3A : memref<!tpu.dma_semaphore, #tpu.memory_space<semaphore_mem>>)
        %dma_wait3A_126 = arith.constant 0 : i32
        %dma_wait3A_127 = tpu.memref_slice %arg5[%sub3A_120, %dma_wait3A_126] : memref<20000x128xf32, #tpu.memory_space<hbm>> -> memref<640x128xf32, #tpu.memory_space<hbm>>
        %dma_wait3A_128 = arith.constant 9360 : i32
        %dma_wait3A_129 = arith.constant 0 : i32
        %dma_wait3A_130 = tpu.memref_slice %arg12[%dma_wait3A_128, %dma_wait3A_129] : memref<10000x128xf32, #tpu.memory_space<vmem_shared>> -> memref<640x128xf32, #tpu.memory_space<vmem_shared>>
        tpu.wait_dma2 semaphore(%run_scoped3A : memref<!tpu.dma_semaphore, #tpu.memory_space<semaphore_mem>>) src(%dma_wait3A_130 : memref<640x128xf32, #tpu.memory_space<vmem_shared>>) dst(%dma_wait3A_127 : memref<640x128xf32, #tpu.memory_space<hbm>>)
        tpu.yield
      }) : () -> ()
    } else {
    }
    return
  }
}

module attributes {stable_mosaic.version = 14 : i64} {
  func.func @_tc1_body(%arg0: memref<10000x1xf32, #tpu.memory_space<vmem>>, %arg1: memref<10000x1xf32, #tpu.memory_space<vmem>>, %arg2: memref<10000x128xf32, #tpu.memory_space<vmem>>, %arg3: memref<128x128xf32, #tpu.memory_space<vmem>>, %arg4: memref<10000x1xf32, #tpu.memory_space<vmem>>, %arg5: memref<10000x128xf32, #tpu.memory_space<vmem>>) attributes {dimension_semantics = [], scalar_prefetch = 0 : i64, scratch_operands = 0 : i64, tpu.core_type = #tpu.core_type<tc>} {
    %get3A = arith.constant 0 : index
    %get3A_0 = arith.constant 0 : index
    %get3A_1 = vector.load %arg0[%get3A, %get3A_0] : memref<10000x1xf32, #tpu.memory_space<vmem>>, vector<10000x1xf32>
    %add3A = arith.constant 1.000000e+00 : f32
    %add3A_2 = vector.broadcast %add3A : f32 to vector<10000x1xf32>
    %add3A_3 = arith.addf %add3A_2, %get3A_1 : vector<10000x1xf32>
    %get3A_4 = arith.constant 0 : index
    %get3A_5 = arith.constant 0 : index
    %get3A_6 = vector.load %arg1[%get3A_4, %get3A_5] : memref<10000x1xf32, #tpu.memory_space<vmem>>, vector<10000x1xf32>
    %add3A_7 = arith.addf %add3A_3, %get3A_6 : vector<10000x1xf32>
    %rsqrt3A = math.rsqrt %add3A_7 : vector<10000x1xf32>
    %swap3A = arith.constant 0 : index
    %swap3A_8 = arith.constant 0 : index
    %swap3A_9 = vector.load %arg4[%swap3A, %swap3A_8] : memref<10000x1xf32, #tpu.memory_space<vmem>>, vector<10000x1xf32>
    tpu.vector_store %arg4[%swap3A, %swap3A_8], %rsqrt3A {strides = array<i32>} : memref<10000x1xf32, #tpu.memory_space<vmem>>, vector<10000x1xf32>,
    %get3A_10 = arith.constant 0 : index
    %get3A_11 = arith.constant 0 : index
    %get3A_12 = vector.load %arg2[%get3A_10, %get3A_11] : memref<10000x128xf32, #tpu.memory_space<vmem>>, vector<10000x128xf32>
    %get3A_13 = arith.constant 0 : index
    %get3A_14 = arith.constant 0 : index
    %get3A_15 = vector.load %arg3[%get3A_13, %get3A_14] : memref<128x128xf32, #tpu.memory_space<vmem>>, vector<128x128xf32>
    %dot_general3A = arith.constant dense<0.000000e+00> : vector<10000x128xf32>
    %dot_general3A_16 = tpu.matmul %get3A_12, %get3A_15, %dot_general3A {dimension_numbers = #tpu.dot_dimension_numbers<[1], [0], [0], [1], [0, 0, 1, 1], [], []>, transpose_lhs_hint = false} : vector<10000x128xf32>, vector<128x128xf32>, vector<10000x128xf32> -> vector<10000x128xf32>
    %mul3A = vector.broadcast %rsqrt3A : vector<10000x1xf32> to vector<10000x128xf32>
    %mul3A_17 = arith.mulf %dot_general3A_16, %mul3A : vector<10000x128xf32>
    %swap3A_18 = arith.constant 0 : index
    %swap3A_19 = arith.constant 0 : index
    %swap3A_20 = vector.load %arg5[%swap3A_18, %swap3A_19] : memref<10000x128xf32, #tpu.memory_space<vmem>>, vector<10000x128xf32>
    tpu.vector_store %arg5[%swap3A_18, %swap3A_19], %mul3A_17 {strides = array<i32>} : memref<10000x128xf32, #tpu.memory_space<vmem>>, vector<10000x128xf32>,
    return
  }
}

module attributes {stable_mosaic.version = 14 : i64} {
  func.func @_tc2_body(%arg0: memref<10000x128xf32, #tpu.memory_space<vmem>>, %arg1: memref<10000x128xf32, #tpu.memory_space<vmem>>, %arg2: memref<10000x128xf32, #tpu.memory_space<vmem>>, %arg3: memref<10000x1xf32, #tpu.memory_space<vmem>>, %arg4: memref<1x128xf32, #tpu.memory_space<vmem>>, %arg5: memref<128x128xf32, #tpu.memory_space<vmem>>, %arg6: memref<10000x128xf32, #tpu.memory_space<vmem>>) attributes {dimension_semantics = [], scalar_prefetch = 0 : i64, scratch_operands = 0 : i64, tpu.core_type = #tpu.core_type<tc>} {
    %get3A = arith.constant 0 : index
    %get3A_0 = arith.constant 0 : index
    %get3A_1 = vector.load %arg0[%get3A, %get3A_0] : memref<10000x128xf32, #tpu.memory_space<vmem>>, vector<10000x128xf32>
    %get3A_2 = arith.constant 0 : index
    %get3A_3 = arith.constant 0 : index
    %get3A_4 = vector.load %arg1[%get3A_2, %get3A_3] : memref<10000x128xf32, #tpu.memory_space<vmem>>, vector<10000x128xf32>
    %add3A = arith.addf %get3A_1, %get3A_4 : vector<10000x128xf32>
    %get3A_5 = arith.constant 0 : index
    %get3A_6 = arith.constant 0 : index
    %get3A_7 = vector.load %arg2[%get3A_5, %get3A_6] : memref<10000x128xf32, #tpu.memory_space<vmem>>, vector<10000x128xf32>
    %add3A_8 = arith.addf %add3A, %get3A_7 : vector<10000x128xf32>
    %get3A_9 = arith.constant 0 : index
    %get3A_10 = arith.constant 0 : index
    %get3A_11 = vector.load %arg3[%get3A_9, %get3A_10] : memref<10000x1xf32, #tpu.memory_space<vmem>>, vector<10000x1xf32>
    %mul3A = vector.broadcast %get3A_11 : vector<10000x1xf32> to vector<10000x128xf32>
    %mul3A_12 = arith.mulf %add3A_8, %mul3A : vector<10000x128xf32>
    %get3A_13 = arith.constant 0 : index
    %get3A_14 = arith.constant 0 : index
    %get3A_15 = vector.load %arg4[%get3A_13, %get3A_14] : memref<1x128xf32, #tpu.memory_space<vmem>>, vector<1x128xf32>
    %add3A_16 = vector.broadcast %get3A_15 : vector<1x128xf32> to vector<10000x128xf32>
    %add3A_17 = arith.addf %mul3A_12, %add3A_16 : vector<10000x128xf32>
    %max3A = arith.constant 0.000000e+00 : f32
    %max3A_18 = vector.broadcast %max3A : f32 to vector<10000x128xf32>
    %max3A_19 = arith.maximumf %add3A_17, %max3A_18 : vector<10000x128xf32>
    %get3A_20 = arith.constant 0 : index
    %get3A_21 = arith.constant 0 : index
    %get3A_22 = vector.load %arg5[%get3A_20, %get3A_21] : memref<128x128xf32, #tpu.memory_space<vmem>>, vector<128x128xf32>
    %dot_general3A = arith.constant dense<0.000000e+00> : vector<10000x128xf32>
    %dot_general3A_23 = tpu.matmul %max3A_19, %get3A_22, %dot_general3A {dimension_numbers = #tpu.dot_dimension_numbers<[1], [0], [0], [1], [0, 0, 1, 1], [], []>, transpose_lhs_hint = false} : vector<10000x128xf32>, vector<128x128xf32>, vector<10000x128xf32> -> vector<10000x128xf32>
    %get3A_24 = arith.constant 0 : index
    %get3A_25 = arith.constant 0 : index
    %get3A_26 = vector.load %arg3[%get3A_24, %get3A_25] : memref<10000x1xf32, #tpu.memory_space<vmem>>, vector<10000x1xf32>
    %mul3A_27 = vector.broadcast %get3A_26 : vector<10000x1xf32> to vector<10000x128xf32>
    %mul3A_28 = arith.mulf %dot_general3A_23, %mul3A_27 : vector<10000x128xf32>
    %swap3A = arith.constant 0 : index
    %swap3A_29 = arith.constant 0 : index
    %swap3A_30 = vector.load %arg6[%swap3A, %swap3A_29] : memref<10000x128xf32, #tpu.memory_space<vmem>>, vector<10000x128xf32>
    tpu.vector_store %arg6[%swap3A, %swap3A_29], %mul3A_28 {strides = array<i32>} : memref<10000x128xf32, #tpu.memory_space<vmem>>, vector<10000x128xf32>,
    return
  }
}

module attributes {stable_mosaic.version = 14 : i64} {
  func.func @_tc3_body(%arg0: memref<10000x128xf32, #tpu.memory_space<vmem>>, %arg1: memref<10000x128xf32, #tpu.memory_space<vmem>>, %arg2: memref<10000x128xf32, #tpu.memory_space<vmem>>, %arg3: memref<10000x1xf32, #tpu.memory_space<vmem>>, %arg4: memref<1x128xf32, #tpu.memory_space<vmem>>, %arg5: memref<10000x128xf32, #tpu.memory_space<vmem>>) attributes {dimension_semantics = [], scalar_prefetch = 0 : i64, scratch_operands = 0 : i64, tpu.core_type = #tpu.core_type<tc>} {
    %get3A = arith.constant 0 : index
    %get3A_0 = arith.constant 0 : index
    %get3A_1 = vector.load %arg0[%get3A, %get3A_0] : memref<10000x128xf32, #tpu.memory_space<vmem>>, vector<10000x128xf32>
    %get3A_2 = arith.constant 0 : index
    %get3A_3 = arith.constant 0 : index
    %get3A_4 = vector.load %arg1[%get3A_2, %get3A_3] : memref<10000x128xf32, #tpu.memory_space<vmem>>, vector<10000x128xf32>
    %add3A = arith.addf %get3A_1, %get3A_4 : vector<10000x128xf32>
    %get3A_5 = arith.constant 0 : index
    %get3A_6 = arith.constant 0 : index
    %get3A_7 = vector.load %arg2[%get3A_5, %get3A_6] : memref<10000x128xf32, #tpu.memory_space<vmem>>, vector<10000x128xf32>
    %add3A_8 = arith.addf %add3A, %get3A_7 : vector<10000x128xf32>
    %get3A_9 = arith.constant 0 : index
    %get3A_10 = arith.constant 0 : index
    %get3A_11 = vector.load %arg3[%get3A_9, %get3A_10] : memref<10000x1xf32, #tpu.memory_space<vmem>>, vector<10000x1xf32>
    %mul3A = vector.broadcast %get3A_11 : vector<10000x1xf32> to vector<10000x128xf32>
    %mul3A_12 = arith.mulf %add3A_8, %mul3A : vector<10000x128xf32>
    %get3A_13 = arith.constant 0 : index
    %get3A_14 = arith.constant 0 : index
    %get3A_15 = vector.load %arg4[%get3A_13, %get3A_14] : memref<1x128xf32, #tpu.memory_space<vmem>>, vector<1x128xf32>
    %add3A_16 = vector.broadcast %get3A_15 : vector<1x128xf32> to vector<10000x128xf32>
    %add3A_17 = arith.addf %mul3A_12, %add3A_16 : vector<10000x128xf32>
    %swap3A = arith.constant 0 : index
    %swap3A_18 = arith.constant 0 : index
    %swap3A_19 = vector.load %arg5[%swap3A, %swap3A_18] : memref<10000x128xf32, #tpu.memory_space<vmem>>, vector<10000x128xf32>
    tpu.vector_store %arg5[%swap3A, %swap3A_18], %add3A_17 {strides = array<i32>} : memref<10000x128xf32, #tpu.memory_space<vmem>>, vector<10000x128xf32>,
    return
  }
}

</mosaic_0001>

<sc_bundles>
// kernel: kernel.11.cloned.1.call-start
scs
__scs_entry_jumppad:
0x0: {  	(pc) =	sbr.rel $0x88, $3  }
0x1: {  	(tag) =	ssettag $0x0;
	lr =	simm.s32 $0x1  }
0x2: {  	[smem:$0x3F9B] =	sst lr;
	_ =	strace $0xD0000000  }
0x3: {  	_ = 	snop  }
0x4: {  	_ = 	snop  }
0x5: {  	_ = 	snop  }
0x6: {  	_ = 	snop  }
0x7: {  	_ = 	snop  }
__scs_overlays_trampoline_lowered:
0x8: {  	[smem:$0x3FAA] =	sst s0  }
0x9: {  	[smem:$0x3FAB] =	sst s1  }
0xa: {  	[smem:$0x3FAC] =	sst s2  }
0xb: {  	[smem:$0x3FAD] =	sst s3  }
0xc: {  	[smem:$0x3FAE] =	sst s4  }
0xd: {  	[smem:$0x3FAF] =	sst s5  }
0xe: {  	[smem:$0x3FB0] =	sst s6  }
0xf: {  	[smem:$0x3FB1] =	sst s7  }
0x10: {  	[smem:$0x3FB2] =	sst s8  }
0x11: {  	[smem:$0x3FB3] =	sst s9;
	s0 =	simm.s32 @!p0 $0x0  }
0x12: {  	s1 =	sld [smem:$0x3F99];
	s0 =	simm.s32 @p0 $0x1  }
0x13: {  	[smem:$0x3FB4] =	sst s0;
	s0 =	simm.s32 @!p1 $0x0  }
0x14: {  	s2 =	sld [smem:$0x3F98];
	s0 =	simm.s32 @p1 $0x1  }
0x15: {  	[smem:$0x3FB5] =	sst s0;
	s0 =	simm.s32 @!p2 $0x0  }
0x16: {  	s3 =	sld [smem:$0x3FDB];
	s0 =	simm.s32 @p2 $0x1  }
0x17: {  	s4 =	simm.s32 $0x1BF5;
	[smem:$0x3FB7] =	sst s0  }
0x18: {  	s0 =	sld [smem:$0x3F9A];
	_ =	swait.ge [sflag:s4], $0x0  }
0x19: {  	s7 =	sld [smem:$0x3F9B]  }
0x1a: {  	s8 =	sadd.s32 $0xFFFFE003, lr  }
0x1b: {  	s9 =	sadd.s32 $0xFFFFFEF7, lr;
	s5 =	simm.s32 $0xFFFFFFFF;
	p2 =	slt.u32 s8, $0xFFFFF086  }
0x1c: {  	p1 =	slt.u32 s9, $0xF7A;
	s5 =	simm.s32 @!p2 $0x0  }
0x1d: {  	s5 =	simm.s32 @p1 $0x1;
	p0 =	seq.s32 s7, s2  }
0x1e: {  	s7 =	smul.u32 @!p0 $0xF7A, s2;
	p2 =	seq.s32 @!p0 s5, $0x0  }
0x1f: {  	s9 =	smul.u32 $0xF7A, s1;
	s8 =	simm.s32 @!p0 $0x1BF5;
	p2 =	por !p2, p0  }
0x20: {  	[sflag:s8] =	ssyncset.s32 @!p0 $0xFFFFF086;
	s6 =	sadd.s32 @!p0 s3, s7;
	s7 =	simm.s32 @!p0 $0x108  }
0x21: {  	s3 =	sadd.s32 s3, s9;
	s6 =	sadd.s32 @!p0 $0x88, s6;
	s7 =	simm.s32 @p2 $0x1082  }
0x22: {  	[simem:s7], [sflag:s8] =	dma.local @!p0 [hbm:s6], $0xF7A  }
0x23: {  	s9 =	sor.u32 $0xD0000000, s2;
	s6 =	simm.s32 $0x108;
	_ =	swait.ge @!p0 [sflag:s8], $0x0  }
0x24: {  	s3 =	sadd.s32 $0x88, s3;
	s6 =	simm.s32 @!p1 $0x1082;
	[sflag:s4] =	ssyncset.s32 $0xFFFFF086  }
0x25: {  	[simem:s6], [sflag:s4] =	dma.local [hbm:s3], $0xF7A  }
0x26: {  	[smem:$0x3F9B] =	sst s1;
	(tag) =	ssettag s2;
	_ =	strace s9  }
0x27: {  	s1 =	sld [smem:$0x3FAB]  }
0x28: {  	s2 =	sld [smem:$0x3FAC]  }
0x29: {  	s4 =	sld [smem:$0x3FAE]  }
0x2a: {  	p0 =	seq.s32 s5, $0x0;
	s5 =	sld [smem:$0x3FAF]  }
0x2b: {  	s6 =	sld [smem:$0x3FB0]  }
0x2c: {  	s7 =	sld [smem:$0x3FB1]  }
0x2d: {  	s3 =	simm.s32 $0x108;
	s8 =	sld [smem:$0x3FB2]  }
0x2e: {  	s3 =	simm.s32 @!p0 $0x1082;
	s9 =	sld [smem:$0x3FB3]  }
0x2f: {  	lr =	sadd.s32 s0, s3;
	s0 =	sld [smem:$0x3FAA]  }
0x30: {  	s3 =	sld [smem:$0x3FAD]  }
0x31: {  	[smem:$0x3FB6] =	sst s10  }
0x32: {  	s10 =	sld [smem:$0x3FB4];
	_ =	sdelay $0x3  }
0x33: {  	p0 =	seq.s32 s10, $0x1;
	s10 =	sld [smem:$0x3FB6];
	_ =	sdelay $0x3  }
0x34: {  	[smem:$0x3FB6] =	sst s10  }
0x35: {  	s10 =	sld [smem:$0x3FB5];
	_ =	sdelay $0x3  }
0x36: {  	p1 =	seq.s32 s10, $0x1;
	s10 =	sld [smem:$0x3FB6];
	_ =	sdelay $0x3  }
0x37: {  	[smem:$0x3FB6] =	sst s10  }
0x38: {  	s10 =	sld [smem:$0x3FB7]  }
0x39: {  	_ = 	snop;
	(pc) =	sbr.ind lr, $3  }
0x3a: {  	_ = 	snop  }
0x3b: {  	_ = 	snop  }
0x3c: {  	p2 =	seq.s32 s10, $0x1;
	s10 =	sld [smem:$0x3FB6]  }
0x3d: {  	_ =	shalt  }
0x3e: {  	_ =	shalt  }
0x3f: {  	_ =	shalt  }
0x40: {  	_ =	shalt  }
0x41: {  	_ =	shalt  }
0x42: {  	_ =	shalt  }
0x43: {  	_ =	shalt  }
0x44: {  	_ =	shalt  }
0x45: {  	_ =	shalt  }
0x46: {  	_ =	shalt  }
0x47: {  	_ =	shalt  }
0x48: {  	_ =	shalt  }
0x49: {  	_ =	shalt  }
0x4a: {  	_ =	shalt  }
0x4b: {  	_ =	shalt  }
0x4c: {  	_ =	shalt  }
0x4d: {  	_ =	shalt  }
0x4e: {  	_ =	shalt  }
0x4f: {  	_ =	shalt  }
0x50: {  	_ =	shalt  }
0x51: {  	_ =	shalt  }
0x52: {  	_ =	shalt  }
0x53: {  	_ =	shalt  }
0x54: {  	_ =	shalt  }
0x55: {  	_ =	shalt  }
0x56: {  	_ =	shalt  }
0x57: {  	_ =	shalt  }
0x58: {  	_ =	shalt  }
0x59: {  	_ =	shalt  }
0x5a: {  	_ =	shalt  }
0x5b: {  	_ =	shalt  }
0x5c: {  	_ =	shalt  }
0x5d: {  	_ =	shalt  }
0x5e: {  	_ =	shalt  }
0x5f: {  	_ =	shalt  }
0x60: {  	_ =	shalt  }
0x61: {  	_ =	shalt  }
0x62: {  	_ =	shalt  }
0x63: {  	_ =	shalt  }
0x64: {  	_ =	shalt  }
0x65: {  	_ =	shalt  }
0x66: {  	_ =	shalt  }
0x67: {  	_ =	shalt  }
0x68: {  	_ =	shalt  }
0x69: {  	_ =	shalt  }
0x6a: {  	_ =	shalt  }
0x6b: {  	_ =	shalt  }
0x6c: {  	_ =	shalt  }
0x6d: {  	_ =	shalt  }
0x6e: {  	_ =	shalt  }
0x6f: {  	_ =	shalt  }
0x70: {  	_ =	shalt  }
0x71: {  	_ =	shalt  }
0x72: {  	_ =	shalt  }
0x73: {  	_ =	shalt  }
0x74: {  	_ =	shalt  }
0x75: {  	_ =	shalt  }
0x76: {  	_ =	shalt  }
0x77: {  	_ =	shalt  }
0x78: {  	_ =	shalt  }
0x79: {  	_ =	shalt  }
0x7a: {  	_ =	shalt  }
0x7b: {  	_ =	shalt  }
0x7c: {  	_ =	shalt  }
0x7d: {  	_ =	shalt  }
0x7e: {  	_ =	shalt  }
0x7f: {  	_ =	shalt  }
0x80: {  	_ =	shalt  }
0x81: {  	_ =	shalt  }
0x82: {  	_ =	shalt  }
0x83: {  	_ =	shalt  }
0x84: {  	_ =	shalt  }
0x85: {  	_ =	shalt  }
0x86: {  	_ =	shalt  }
0x87: {  	_ =	shalt  }
.Lfunc_end0:
.L_simem_size_0:
called_computation.1_lowered:
.L_overlay_start_0:
0x88: {  	s2 =	sld [smem:$0x3FD9]  }
0x89: {  	s3 =	sld [smem:$0x3FFE];
	_ =	sdelay $0x1  }
0x8a: {  	s1 =	srdreg.scid  }
0x8b: {  	s0 =	sand.u32 $0x1, s1  }
0x8c: {  	s17 =	sshll.u32 s0, $0xA;
	s2 =	sadd.s32 s3, s2  }
0x8d: {  	s2 =	sadd.s32 s2, s17  }
0x8e: {  	[smem:$0x3FC2] =	sst s2  }
0x8f: {  	_ = 	snop  }
0x90: {  	s2 =	sld [smem:$0x3FD0];
	(tm) =	ssettm $0x1  }
0x91: {  	s18 =	sld [smem:$0x3FFB];
	_ =	sdelay $0x3  }
0x92: {  	_ =	strace s18  }
0x93: {  	s3 =	sld [smem:$0x3FFC];
	_ =	sdelay $0x3  }
0x94: {  	_ =	strace s3  }
0x95: {  	s3 =	sld [smem:$0x3FFD];
	_ =	sdelay $0x3  }
0x96: {  	_ =	strace s3  }
0x97: {  	_ =	strace $0x8FFFFFFF  }
0x98: {  	s19 =	sld [smem:$0x3FDB];
	_ =	sdelay $0x1  }
0x99: {  	s4 =	simm.s32 $_scs_section_size  }
0x9a: {  	s5 =	simm.s32 $_size__tile_overlayer_lowered;
	s6 =	simm.s32 $_tile_overlayer_lowered  }
0x9b: {  	s22 =	simm.s32 $0x1BFF;
	s21 =	sshll.u32 s6, $0x1;
	s3 =	sadd.s32 s4, s19  }
0x9c: {  	s7 =	simm.s32 $0x0;
	s20 =	sshll.u32 s5, $0x1;
	s5 =	sadd.s32 s21, s3  }
0x9d: {  	[timem:s7], [sflag:s22] =	dma.local [hbm:s5], s20  }
0x9e: {  	_ =	swait.ge [sflag:s22], s20  }
0x9f: {  	s4 =	ssub.s32 $0x0, s20;
	[sflag:s22] =	ssyncset.done $0x0  }
0xa0: {  	[sflag:s22] =	ssyncadd.s32 s4;
	_ =	sdelay $0x1  }
0xa1: {  	s23 =	simm.s32 $0x1B8B  }
0xa2: {  	_ =	swait.ge [sflag:s23], $0x1  }
0xa3: {  	[sflag:s23] =	ssyncset.done $0x0  }
0xa4: {  	s25 =	simm.s32 $0x1B8E;
	s24 =	sld [smem:$0x3FFE];
	[sflag:s23] =	ssyncadd.s32 $0xFFFFFFFF  }
0xa5: {  	s26 =	simm.s32 $execute0_lowered;
	[smem:$0x3FD2] =	sst s25  }
0xa6: {  	s5 =	sshll.u32 s26, $0x1;
	_ =	strace $0x80000049;
	[dreg:$0x1] =	wrdreg $0xFFFFFFFF  }
0xa7: {  	s28 =	simm.s32 $_size_execute0_lowered;
	s3 =	sadd.s32 s3, s5;
	[dreg:$0x0] =	wrdreg $0x0  }
0xa8: {  	s5 =	sshll.u32 s28, $0x1;
	[dreg:$0x2] =	wrdreg s3  }
0xa9: {  	[dreg:$0x3] =	wrdreg s5  }
0xaa: {  	[dreg:$0x4] =	wrdreg $0xC0  }
0xab: {  	_ =	task [dreg:s7], $0x5FFFF  }
0xac: {  	[dreg:$0x1] =	wrdreg $0xFFFFFFFF  }
0xad: {  	[dreg:$0x0] =	wrdreg $0x60  }
0xae: {  	[dreg:$0x2] =	wrdreg s2  }
0xaf: {  	[dreg:$0x3] =	wrdreg s24  }
0xb0: {  	[dreg:$0x4] =	wrdreg $0xC3000  }
0xb1: {  	[dreg:$0x5] =	wrdreg $0x9  }
0xb2: {  	_ =	task.clear_ibuf [dreg:s7], $0x6FFFF;
	_ =	strace $0x90000049  }
0xb3: {  	s29 =	simm.s32 $0x9;
	_ =	strace $0x8000004B  }
0xb4: {  	_ =	swait.ge [sflag:s29], $0x1  }
0xb5: {  	[sflag:s29] =	ssyncadd.s32 $0xFFFFFFFF  }
0xb6: {  	_ =	strace $0x9000004B  }
0xb7: {  	_ =	sfence  }
0xb8: {  	s30 =	sld [smem:$0x0];
	_ =	sdelay $0x2  }
0xb9: {  	s31 =	sshll.u32 s1, $0xD;
	s1 =	sshrl.u32 s1, $0x2  }
0xba: {  	s3 =	sand.u32 $0x4000, s31;
	s1 =	sadd.s32 s1, s30  }
0xbb: {  	s0 =	sor.u32 s3, s0;
	s1 =	sshll.u32 s1, $0x11  }
0xbc: {  	s0 =	sor.u32 s1, s0  }
0xbd: {  	s0 =	sadd.s32 $0x8F2B, s0  }
0xbe: {  	[sflag:s0] =	ssyncadd.remote.s32 $0x1  }
0xbf: {  	_ =	sfence.sel $0xFFFF  }
0xc0: {  	[dreg:$0x0] =	wrdreg $0xFFFFFFFF;
	(pc) =	sbr.abs _section_cstart, $3  }
0xc1: {  	[dreg:$0x1] =	wrdreg $0xFFFFFFFF  }
0xc2: {  	_ =	task.clear_ibuf [dreg:s7], $0x2FFFF;
	_ =	strace $0x9FFFFFFF  }
0xc3: {  	(tm) =	ssettm $0x7FFFFFFF  }
tec
execute0_lowered:
.L_overlay_start_1:
0x0: {  	(tag) =	ssettag $0x1  }
0x1: {  	s1 =	rddreg [dreg:$0x0]  }
0x2: {  	s0 =	rddreg [dreg:$0x1];
	s2 =	srdreg.scid  }
0x3: {  	s3 =	rddreg [dreg:$0x2];
	s15 =	stileid.u32;
	s4 =	simm.s32 $0x0  }
0x4: {  	s28 =	simm.s32 $0x80;
	s29 =	simm.s32 $0x200;
	s30 =	simm.s32 $0x2  }
0x5: {  	s31 =	simm.s32 $0x4300;
	s2 =	sand.u32 $0x1, s2;
	s6 =	smul.u32 $0x2700, s15  }
0x6: {  	[smem:$0x7FF] =	sst s4;
	s7 =	sadd.s32 $0x5AE00, s0;
	s11 =	smul.u32 $0x4E000, s15  }
0x7: {  	s12 =	sadd.s32 $0x6EE00, s0;
	s14 =	sadd.s32 $0x124800, s3;
	s20 =	smul.u32 $0x5000, s15  }
0x8: {  	p0 =	sne.s32 s15, $0xF;
	s5 =	sshll.u32 s2, $0x4;
	s16 =	smul.u32 $0x27100, s2  }
0x9: {  	_ =	strace $0x8000004A;
	s9 =	ssub.s32 $0x2, s2;
	s18 =	smul.u32 $0x138800, s2  }
0xa: {  	[dreg:$0x7] =	wrdreg s14;
	s2 =	smul.u32 $0x50000, s2;
	s5 =	sor.u32 s15, s5  }
0xb: {  	s8 =	sadd.s32 s6, s0;
	s13 =	sshrl.u32 s9, $0x1;
	s11 =	sshrl.u32 s11, $0x2  }
0xc: {  	s0 =	sadd.s32 $0x4E700, s0;
	s5 =	smul.u32 $0x5000, s5;
	s9 =	ssub.s32 s9, s13  }
0xd: {  	s8 =	sadd.s32 $0x29E00, s8;
	s13 =	sshll.u32 s15, $0x6;
	[dreg:$0x8] =	wrdreg s0  }
0xe: {  	s6 =	sadd.s32 s6, s16;
	s19 =	sshrl.u32 s18, $0x3;
	s2 =	sadd.s32 s20, s2  }
0xf: {  	s20 =	simm.s32 $0x100;
	[dreg:$0x6] =	wrdreg s8;
	s8 =	sor.u32 $0x1C0A, s13  }
0x10: {  	s6 =	sadd.s32 s12, s6;
	s21 =	smax.u32 s9, $0x1;
	s24 =	sor.u32 $0x700, s2  }
0x11: {  	s25 =	sor.u32 $0x600, s2;
	s2 =	sor.u32 $0x500, s2;
	s9 =	simm.s32 $0x8300  }
0x12: {  	s13 =	simm.s32 $0x0;
	s10 =	sshrl.u32 s5, $0x3;
	s17 =	sor.u32 $0x200, s5  }
0x13: {  	s14 =	sor.u32 $0x300, s5;
	s5 =	sor.u32 $0x400, s5;
	[dreg:$0x9] =	wrdreg s6  }
0x14: {  	s6 =	sadd.s32 s12, s19;
	[dreg:$0xb] =	wrdreg s21;
	s26 =	sshrl.u32 s25, $0x3  }
0x15: {  	s2 =	sshrl.u32 s2, $0x3;
	s25 =	simm.s32 $0x300;
	s12 =	simm.s32 $0x9  }
0x16: {  	s10 =	sadd.s32 s7, s10;
	s0 =	sshrl.u32 s17, $0x3;
	s6 =	sadd.s32 $0x24900, s6  }
0x17: {  	s22 =	sshrl.u32 s14, $0x3;
	s5 =	sshrl.u32 s5, $0x3;
	s18 =	sadd.s32 s26, s7  }
0x18: {  	s19 =	sadd.s32 s2, s7;
	s26 =	simm.s32 $0x4;
	[dreg:$0x4] =	wrdreg s10  }
0x19: {  	s2 =	simm.s32 $0x7;
	s10 =	sadd.s32 $0x20, s10;
	[dreg:$0xa] =	wrdreg s6  }
0x1a: {  	s0 =	sadd.s32 s7, s0;
	s23 =	sadd.s32 s7, s5;
	[dreg:$0x5] =	wrdreg s10  }
0x1b: {  	s6 =	simm.s32 $0x180;
	s5 =	simm.s32 $0x6;
	[dreg:$0xc] =	wrdreg s0  }
0x1c: {  	s10 =	sadd.s32 s11, s3;
	s0 =	sadd.s32 s7, s22;
	[dreg:$0xe] =	wrdreg s23  }
0x1d: {  	s22 =	simm.s32 $0xA;
	s23 =	simm.s32 $0x1;
	s11 =	simm.s32 $0x280  }
0x1e: {  	[dreg:$0xd] =	wrdreg s0;
	s0 =	sshrl.u32 s24, $0x3;
	s16 =	sshrl.u32 s10, $0x3  }
0x1f: {  	s24 =	simm.s32 $0x7D;
	s10 =	simm.s32 $0x8;
	s17 =	sadd.s32 s0, s7  }
0x20: {  	s0 =	simm.s32 $0x5;
	s7 =	simm.s32 $0x3;
	[dreg:$0xf] =	wrdreg s16  }
.LBB2_1:
0x21: {  	s14 =	rddreg [dreg:$0x4]  }
0x22: {  	s21 =	rddreg [dreg:$0x5]  }
0x23: {  	[tilespmem:s4], [sflag:$0x1] =	stream.linear.gather [hbm4b:s14+s4], $0x100, $0x38;
	[tilespmem:$0x1FB80] =	vst v63  }
0x24: {  	s15 =	rddreg [dreg:$0x6]  }
0x25: {  	[tilespmem:s20], [sflag:$0x2] =	stream.linear.gather [hbm4b:s21+s4], $0x100, $0x38;
	[tilespmem:$0x1FB80] =	vst v63  }
0x26: {  	[spmem:s16], [sflag:s8] =	dma.local [hbm:s15], $0x2700  }
0x27: {  	_ =	swait.ge [sflag:s22], $0x2700  }
0x28: {  	[sflag:s22] =	ssyncset.done $0x0;
	s14 =	rddreg [dreg:$0x7]  }
0x29: {  	s15 =	rddreg [dreg:$0x8];
	[sflag:s22] =	ssyncadd.s32 $0xFFFFD900;
	s14 =	sshrl.u32 @!p0 s14, $0x3  }
0x2a: {  	[spmem:s14], [sflag:s8] =	dma.local @!p0 [hbm:s15], $0x2800  }
0x2b: {  	s15 =	simm.s32 @!p0 $0xA  }
0x2c: {  	_ =	swait.ge @!p0 [sflag:s15], $0x2800  }
0x2d: {  	[sflag:s15] =	ssyncset.done @!p0 $0x0  }
0x2e: {  	[sflag:s15] =	ssyncadd.s32 @!p0 $0xFFFFD800  }
0x2f: {  	[bflag:$0x0] =	sbarrier.arrive $0xFFFF  }
0x30: {  	_ =	swait.ge [sflag:s23], $0x100  }
0x31: {  	[sflag:s23] =	ssyncset.done $0x0  }
0x32: {  	[sflag:s23] =	ssyncadd.s32 $0xFFFFFF00  }
0x33: {  	[tilespmem:s25], [sflag:$0x4] =	stream.indirect.gather [hbm4b:s1+s24], $0x80, s4, s24, $0xb8;
	[tilespmem:$0x1FB80] =	vst v63  }
0x34: {  	_ =	swait.ge [sflag:s26], $0x3E80  }
0x35: {  	[sflag:s26] =	ssyncset.done $0x0  }
0x36: {  	[sflag:s26] =	ssyncadd.s32 $0xFFFFC180  }
0x37: {  	[spmem:s3] =	stream.indirect.scatter.add.f32 [tilespmem:s25], [sflag:$0x7], $0x80, s28, s24, $0xb8;
	[tilespmem:$0x1FB80] =	vst v63  }
0x38: {  	s16 =	rddreg [dreg:$0xc]  }
0x39: {  	[tilespmem:s29], [sflag:$0x3] =	stream.linear.gather [hbm4b:s16+s4], $0x100, $0x38;
	[tilespmem:$0x1FB80] =	vst v63  }
0x3a: {  	_ =	swait.ge [sflag:s30], $0x100  }
0x3b: {  	[sflag:s30] =	ssyncset.done $0x0  }
0x3c: {  	[sflag:s30] =	ssyncadd.s32 $0xFFFFFF00  }
0x3d: {  	[tilespmem:s31], [sflag:$0x5] =	stream.indirect.gather [hbm4b:s1+s24], $0x80, s20, s24, $0xb8;
	[tilespmem:$0x1FB80] =	vst v63  }
0x3e: {  	_ =	swait.ge [sflag:s0], $0x3E80  }
0x3f: {  	[sflag:s0] =	ssyncset.done $0x0  }
0x40: {  	[sflag:s0] =	ssyncadd.s32 $0xFFFFC180  }
0x41: {  	_ =	swait.ge [sflag:s2], $0x3E80  }
0x42: {  	[sflag:s2] =	ssyncset.done $0x0  }
0x43: {  	[sflag:s2] =	ssyncadd.s32 $0xFFFFC180  }
0x44: {  	[spmem:s3] =	stream.indirect.scatter.add.f32 [tilespmem:s31], [sflag:$0x8], $0x80, s6, s24, $0xb8;
	[tilespmem:$0x1FB80] =	vst v63  }
0x45: {  	s21 =	rddreg [dreg:$0xd]  }
0x46: {  	[tilespmem:s4], [sflag:$0x1] =	stream.linear.gather [hbm4b:s21+s4], $0x100, $0x38;
	[tilespmem:$0x1FB80] =	vst v63  }
0x47: {  	_ =	swait.ge [sflag:s7], $0x100  }
0x48: {  	[sflag:s7] =	ssyncset.done $0x0  }
0x49: {  	[sflag:s7] =	ssyncadd.s32 $0xFFFFFF00  }
0x4a: {  	[tilespmem:s9], [sflag:$0x6] =	stream.indirect.gather [hbm4b:s1+s24], $0x80, s29, s24, $0xb8;
	[tilespmem:$0x1FB80] =	vst v63  }
0x4b: {  	_ =	swait.ge [sflag:s5], $0x3E80  }
0x4c: {  	[sflag:s5] =	ssyncset.done $0x0  }
0x4d: {  	[sflag:s5] =	ssyncadd.s32 $0xFFFFC180  }
0x4e: {  	_ =	swait.ge [sflag:s10], $0x3E80  }
0x4f: {  	[sflag:s10] =	ssyncset.done $0x0  }
0x50: {  	[sflag:s10] =	ssyncadd.s32 $0xFFFFC180  }
0x51: {  	[spmem:s3] =	stream.indirect.scatter.add.f32 [tilespmem:s9], [sflag:$0x9], $0x80, s11, s24, $0xb8;
	[tilespmem:$0x1FB80] =	vst v63  }
0x52: {  	s16 =	rddreg [dreg:$0xe]  }
0x53: {  	[tilespmem:s20], [sflag:$0x2] =	stream.linear.gather [hbm4b:s16+s4], $0x100, $0x38;
	[tilespmem:$0x1FB80] =	vst v63  }
0x54: {  	_ =	swait.ge [sflag:s23], $0x100  }
0x55: {  	[sflag:s23] =	ssyncset.done $0x0  }
0x56: {  	[sflag:s23] =	ssyncadd.s32 $0xFFFFFF00  }
0x57: {  	[tilespmem:s25], [sflag:$0x4] =	stream.indirect.gather [hbm4b:s1+s24], $0x80, s4, s24, $0xb8;
	[tilespmem:$0x1FB80] =	vst v63  }
0x58: {  	_ =	swait.ge [sflag:s26], $0x3E80  }
0x59: {  	[sflag:s26] =	ssyncset.done $0x0  }
0x5a: {  	[sflag:s26] =	ssyncadd.s32 $0xFFFFC180  }
0x5b: {  	_ =	swait.ge [sflag:s12], $0x3E80  }
0x5c: {  	[sflag:s12] =	ssyncset.done $0x0  }
0x5d: {  	[sflag:s12] =	ssyncadd.s32 $0xFFFFC180  }
0x5e: {  	[spmem:s3] =	stream.indirect.scatter.add.f32 [tilespmem:s25], [sflag:$0x7], $0x80, s28, s24, $0xb8;
	[tilespmem:$0x1FB80] =	vst v63  }
0x5f: {  	s21 =	sadd.s32 $0x0, s19  }
0x60: {  	[tilespmem:s29], [sflag:$0x3] =	stream.linear.gather [hbm4b:s21+s4], $0x100, $0x38;
	[tilespmem:$0x1FB80] =	vst v63  }
0x61: {  	_ =	swait.ge [sflag:s30], $0x100  }
0x62: {  	[sflag:s30] =	ssyncset.done $0x0  }
0x63: {  	[sflag:s30] =	ssyncadd.s32 $0xFFFFFF00  }
0x64: {  	[tilespmem:s31], [sflag:$0x5] =	stream.indirect.gather [hbm4b:s1+s24], $0x80, s20, s24, $0xb8;
	[tilespmem:$0x1FB80] =	vst v63  }
0x65: {  	_ =	swait.ge [sflag:s0], $0x3E80  }
0x66: {  	[sflag:s0] =	ssyncset.done $0x0  }
0x67: {  	[sflag:s0] =	ssyncadd.s32 $0xFFFFC180  }
0x68: {  	_ =	swait.ge [sflag:s2], $0x3E80  }
0x69: {  	[sflag:s2] =	ssyncset.done $0x0  }
0x6a: {  	[sflag:s2] =	ssyncadd.s32 $0xFFFFC180  }
0x6b: {  	[spmem:s3] =	stream.indirect.scatter.add.f32 [tilespmem:s31], [sflag:$0x8], $0x80, s6, s24, $0xb8;
	[tilespmem:$0x1FB80] =	vst v63  }
0x6c: {  	s16 =	sadd.s32 $0x0, s18  }
0x6d: {  	[tilespmem:s4], [sflag:$0x1] =	stream.linear.gather [hbm4b:s16+s4], $0x100, $0x38;
	[tilespmem:$0x1FB80] =	vst v63  }
0x6e: {  	_ =	swait.ge [sflag:s7], $0x100  }
0x6f: {  	[sflag:s7] =	ssyncset.done $0x0  }
0x70: {  	[sflag:s7] =	ssyncadd.s32 $0xFFFFFF00  }
0x71: {  	[tilespmem:s9], [sflag:$0x6] =	stream.indirect.gather [hbm4b:s1+s24], $0x80, s29, s24, $0xb8;
	[tilespmem:$0x1FB80] =	vst v63  }
0x72: {  	_ =	swait.ge [sflag:s5], $0x3E80  }
0x73: {  	[sflag:s5] =	ssyncset.done $0x0  }
0x74: {  	[sflag:s5] =	ssyncadd.s32 $0xFFFFC180  }
0x75: {  	_ =	swait.ge [sflag:s10], $0x3E80  }
0x76: {  	[sflag:s10] =	ssyncset.done $0x0  }
0x77: {  	[sflag:s10] =	ssyncadd.s32 $0xFFFFC180  }
0x78: {  	[spmem:s3] =	stream.indirect.scatter.add.f32 [tilespmem:s9], [sflag:$0x9], $0x80, s11, s24, $0xb8;
	[tilespmem:$0x1FB80] =	vst v63  }
0x79: {  	s21 =	sadd.s32 $0x0, s17  }
0x7a: {  	[tilespmem:s20], [sflag:$0x2] =	stream.linear.gather [hbm4b:s21+s4], $0x100, $0x38;
	[tilespmem:$0x1FB80] =	vst v63  }
0x7b: {  	_ =	swait.ge [sflag:s23], $0x100  }
0x7c: {  	[sflag:s23] =	ssyncset.done $0x0  }
0x7d: {  	s15 =	simm.s32 $0x60;
	[sflag:s23] =	ssyncadd.s32 $0xFFFFFF00  }
.LBB2_2:
0x7e: {  	[tilespmem:s25], [sflag:$0x4] =	stream.indirect.gather [hbm4b:s1+s24], $0x80, s4, s24, $0xb8;
	[tilespmem:$0x1FB80] =	vst v63  }
0x7f: {  	s16 =	smov.u32 s15  }
0x80: {  	p1 =	sne.s32 s15, $0x900;
	s15 =	sadd.s32 $0x60, s15;
	_ =	swait.ge [sflag:s26], $0x3E80  }
0x81: {  	[sflag:s26] =	ssyncset.done $0x0  }
0x82: {  	[sflag:s26] =	ssyncadd.s32 $0xFFFFC180  }
0x83: {  	_ =	swait.ge [sflag:s12], $0x3E80  }
0x84: {  	[sflag:s12] =	ssyncset.done $0x0  }
0x85: {  	[sflag:s12] =	ssyncadd.s32 $0xFFFFC180  }
0x86: {  	[spmem:s3] =	stream.indirect.scatter.add.f32 [tilespmem:s25], [sflag:$0x7], $0x80, s28, s24, $0xb8;
	[tilespmem:$0x1FB80] =	vst v63  }
0x87: {  	s21 =	sadd.s32 s16, s19  }
0x88: {  	[tilespmem:s29], [sflag:$0x3] =	stream.linear.gather [hbm4b:s21+s4], $0x100, $0x38;
	[tilespmem:$0x1FB80] =	vst v63  }
0x89: {  	_ =	swait.ge [sflag:s30], $0x100  }
0x8a: {  	[sflag:s30] =	ssyncset.done $0x0  }
0x8b: {  	[sflag:s30] =	ssyncadd.s32 $0xFFFFFF00  }
0x8c: {  	[tilespmem:s31], [sflag:$0x5] =	stream.indirect.gather [hbm4b:s1+s24], $0x80, s20, s24, $0xb8;
	[tilespmem:$0x1FB80] =	vst v63  }
0x8d: {  	_ =	swait.ge [sflag:s0], $0x3E80  }
0x8e: {  	[sflag:s0] =	ssyncset.done $0x0  }
0x8f: {  	[sflag:s0] =	ssyncadd.s32 $0xFFFFC180  }
0x90: {  	_ =	swait.ge [sflag:s2], $0x3E80  }
0x91: {  	[sflag:s2] =	ssyncset.done $0x0  }
0x92: {  	[sflag:s2] =	ssyncadd.s32 $0xFFFFC180  }
0x93: {  	[spmem:s3] =	stream.indirect.scatter.add.f32 [tilespmem:s31], [sflag:$0x8], $0x80, s6, s24, $0xb8;
	[tilespmem:$0x1FB80] =	vst v63  }
0x94: {  	s21 =	sadd.s32 s16, s18  }
0x95: {  	[tilespmem:s4], [sflag:$0x1] =	stream.linear.gather [hbm4b:s21+s4], $0x100, $0x38;
	[tilespmem:$0x1FB80] =	vst v63  }
0x96: {  	_ =	swait.ge [sflag:s7], $0x100  }
0x97: {  	[sflag:s7] =	ssyncset.done $0x0  }
0x98: {  	[sflag:s7] =	ssyncadd.s32 $0xFFFFFF00  }
0x99: {  	[tilespmem:s9], [sflag:$0x6] =	stream.indirect.gather [hbm4b:s1+s24], $0x80, s29, s24, $0xb8;
	[tilespmem:$0x1FB80] =	vst v63  }
0x9a: {  	_ =	swait.ge [sflag:s5], $0x3E80  }
0x9b: {  	[sflag:s5] =	ssyncset.done $0x0  }
0x9c: {  	[sflag:s5] =	ssyncadd.s32 $0xFFFFC180  }
0x9d: {  	_ =	swait.ge [sflag:s10], $0x3E80  }
0x9e: {  	[sflag:s10] =	ssyncset.done $0x0  }
0x9f: {  	[sflag:s10] =	ssyncadd.s32 $0xFFFFC180  }
0xa0: {  	[spmem:s3] =	stream.indirect.scatter.add.f32 [tilespmem:s9], [sflag:$0x9], $0x80, s11, s24, $0xb8;
	[tilespmem:$0x1FB80] =	vst v63  }
.Ltmp0:
0xa1: {  	s16 =	sadd.s32 s16, s17;
	(pc) =	sbr.rel @p1 .LBB2_2-.Ltmp0, $4  }
0xa2: {  	[tilespmem:s20], [sflag:$0x2] =	stream.linear.gather [hbm4b:s16+s4], $0x100, $0x38;
	[tilespmem:$0x1FB80] =	vst v63  }
0xa3: {  	_ =	swait.ge [sflag:s23], $0x100  }
0xa4: {  	[sflag:s23] =	ssyncset.done $0x0  }
0xa5: {  	[sflag:s23] =	ssyncadd.s32 $0xFFFFFF00  }
0xa6: {  	[tilespmem:s25], [sflag:$0x4] =	stream.indirect.gather [hbm4b:s1+s24], $0x80, s4, s24, $0xb8;
	[tilespmem:$0x1FB80] =	vst v63  }
0xa7: {  	_ =	swait.ge [sflag:s26], $0x3E80  }
0xa8: {  	[sflag:s26] =	ssyncset.done $0x0  }
0xa9: {  	[sflag:s26] =	ssyncadd.s32 $0xFFFFC180  }
0xaa: {  	_ =	swait.ge [sflag:s12], $0x3E80  }
0xab: {  	[sflag:s12] =	ssyncset.done $0x0  }
0xac: {  	[sflag:s12] =	ssyncadd.s32 $0xFFFFC180  }
0xad: {  	[spmem:s3] =	stream.indirect.scatter.add.f32 [tilespmem:s25], [sflag:$0x7], $0x80, s28, s24, $0xb8;
	[tilespmem:$0x1FB80] =	vst v63  }
0xae: {  	_ =	swait.ge [sflag:s30], $0x100  }
0xaf: {  	[sflag:s30] =	ssyncset.done $0x0  }
0xb0: {  	[sflag:s30] =	ssyncadd.s32 $0xFFFFFF00  }
0xb1: {  	[tilespmem:s31], [sflag:$0x5] =	stream.indirect.gather [hbm4b:s1+s24], $0x80, s20, s24, $0xb8;
	[tilespmem:$0x1FB80] =	vst v63  }
0xb2: {  	_ =	swait.ge [sflag:s0], $0x3E80  }
0xb3: {  	[sflag:s0] =	ssyncset.done $0x0  }
0xb4: {  	[sflag:s0] =	ssyncadd.s32 $0xFFFFC180  }
0xb5: {  	_ =	swait.ge [sflag:s2], $0x3E80  }
0xb6: {  	[sflag:s2] =	ssyncset.done $0x0  }
0xb7: {  	[sflag:s2] =	ssyncadd.s32 $0xFFFFC180  }
0xb8: {  	[spmem:s3] =	stream.indirect.scatter.add.f32 [tilespmem:s31], [sflag:$0x8], $0x80, s6, s24, $0xb8;
	[tilespmem:$0x1FB80] =	vst v63  }
0xb9: {  	_ =	swait.ge [sflag:s10], $0x3E80  }
0xba: {  	[sflag:s10] =	ssyncset.done $0x0  }
0xbb: {  	[sflag:s10] =	ssyncadd.s32 $0xFFFFC180  }
0xbc: {  	[bflag:$0x0] =	sbarrier.arrive $0xFFFF  }
0xbd: {  	s15 =	rddreg [dreg:$0x9]  }
0xbe: {  	s16 =	rddreg [dreg:$0xf]  }
0xbf: {  	[hbm:s15], [sflag:s8] =	dma.local [spmem:s16], $0x2700  }
0xc0: {  	_ =	swait.ge [sflag:s22], $0x2700  }
0xc1: {  	[sflag:s22] =	ssyncset.done $0x0  }
0xc2: {  	s15 =	rddreg [dreg:$0xa];
	[sflag:s22] =	ssyncadd.s32 $0xFFFFD900  }
0xc3: {  	[hbm:s15], [sflag:s8] =	dma.local @!p0 [spmem:s14], $0x2800  }
0xc4: {  	s14 =	simm.s32 @!p0 $0xA  }
0xc5: {  	_ =	swait.ge @!p0 [sflag:s14], $0x2800  }
0xc6: {  	s13 =	sadd.s32 $0x1, s13;
	s21 =	rddreg [dreg:$0xb]  }
0xc7: {  	p1 =	sne.s32 s13, s21  }
.Ltmp1:
0xc8: {  	_ = 	snop;
	(pc) =	sbr.rel @p1 .LBB2_1-.Ltmp1, $3  }
0xc9: {  	_ =	sdelay $0x1  }
0xca: {  	[sflag:s14] =	ssyncset.done @!p0 $0x0  }
0xcb: {  	[sflag:s14] =	ssyncadd.s32 @!p0 $0xFFFFD800  }
0xcc: {  	_ =	sfence.sel $0x180000  }
0xcd: {  	[bflag:$0x0] =	sbarrier.arrive $0xFFFF  }
0xce: {  	_ =	strace $0x9000004A  }
0xcf: {  	s0 =	stileid.u32;
	[bflag:$0x2] =	sbarrier.arrive $0xFFFF  }
0xd0: {  	p0 =	sne.s32 s0, $0x0;
	s0 =	rddreg [dreg:$0x3]  }
0xd1: {  	s0 =	sadd.s32 @!p0 $0x100000, s0  }
0xd2: {  	[sflag:s0] =	ssyncadd.tile.s32 @!p0 $0x1;
	_ =	shalt  }
.Lfunc_end2:
_tile_overlayer_lowered:
.L_overlay_start_2:
0xd3: {  	(tag) =	ssettag $0x2  }
0xd4: {  	s0 =	rddreg [dreg:$0x0];
	s2 =	stileid.u32  }
0xd5: {  	s1 =	rddreg [dreg:$0x1];
	p0 =	sne.s32 s2, $0x0  }
0xd6: {  	s3 =	rddreg [dreg:$0x2];
	[bflag:$0x3] =	sbarrier.arrive $0xFFFF;
	s2 =	simm.s32 @!p0 $0x1C0A  }
0xd7: {  	[timem:s3], [sflag:s2] =	dma.local @!p0 [hbm:s0], s1  }
0xd8: {  	s0 =	simm.s32 @!p0 $0xA  }
0xd9: {  	_ =	swait.ge @!p0 [sflag:s0], s1  }
0xda: {  	s1 =	ssub.s32 @!p0 $0x0, s1;
	[sflag:s0] =	ssyncset.done @!p0 $0x0  }
0xdb: {  	[sflag:s0] =	ssyncadd.s32 @!p0 s1  }
0xdc: {  	[bflag:$0x3] =	sbarrier.arrive $0xFFFF  }
0xdd: {  	_ =	shalt  }

// kernel: kernel.14.cloned.1.call-start
scs
__scs_entry_jumppad:
0x0: {  	(pc) =	sbr.rel $0x88, $3  }
0x1: {  	(tag) =	ssettag $0x0;
	lr =	simm.s32 $0x1  }
0x2: {  	[smem:$0x3F9B] =	sst lr;
	_ =	strace $0xD0000000  }
0x3: {  	_ = 	snop  }
0x4: {  	_ = 	snop  }
0x5: {  	_ = 	snop  }
0x6: {  	_ = 	snop  }
0x7: {  	_ = 	snop  }
__scs_overlays_trampoline_lowered:
0x8: {  	[smem:$0x3FAA] =	sst s0  }
0x9: {  	[smem:$0x3FAB] =	sst s1  }
0xa: {  	[smem:$0x3FAC] =	sst s2  }
0xb: {  	[smem:$0x3FAD] =	sst s3  }
0xc: {  	[smem:$0x3FAE] =	sst s4  }
0xd: {  	[smem:$0x3FAF] =	sst s5  }
0xe: {  	[smem:$0x3FB0] =	sst s6  }
0xf: {  	[smem:$0x3FB1] =	sst s7  }
0x10: {  	[smem:$0x3FB2] =	sst s8  }
0x11: {  	[smem:$0x3FB3] =	sst s9;
	s0 =	simm.s32 @!p0 $0x0  }
0x12: {  	s1 =	sld [smem:$0x3F99];
	s0 =	simm.s32 @p0 $0x1  }
0x13: {  	[smem:$0x3FB4] =	sst s0;
	s0 =	simm.s32 @!p1 $0x0  }
0x14: {  	s2 =	sld [smem:$0x3F98];
	s0 =	simm.s32 @p1 $0x1  }
0x15: {  	[smem:$0x3FB5] =	sst s0;
	s0 =	simm.s32 @!p2 $0x0  }
0x16: {  	s3 =	sld [smem:$0x3FDB];
	s0 =	simm.s32 @p2 $0x1  }
0x17: {  	s4 =	simm.s32 $0x1BF5;
	[smem:$0x3FB7] =	sst s0  }
0x18: {  	s0 =	sld [smem:$0x3F9A];
	_ =	swait.ge [sflag:s4], $0x0  }
0x19: {  	s7 =	sld [smem:$0x3F9B]  }
0x1a: {  	s8 =	sadd.s32 $0xFFFFE003, lr  }
0x1b: {  	s9 =	sadd.s32 $0xFFFFFEF7, lr;
	s5 =	simm.s32 $0xFFFFFFFF;
	p2 =	slt.u32 s8, $0xFFFFF086  }
0x1c: {  	p1 =	slt.u32 s9, $0xF7A;
	s5 =	simm.s32 @!p2 $0x0  }
0x1d: {  	s5 =	simm.s32 @p1 $0x1;
	p0 =	seq.s32 s7, s2  }
0x1e: {  	s7 =	smul.u32 @!p0 $0xF7A, s2;
	p2 =	seq.s32 @!p0 s5, $0x0  }
0x1f: {  	s9 =	smul.u32 $0xF7A, s1;
	s8 =	simm.s32 @!p0 $0x1BF5;
	p2 =	por !p2, p0  }
0x20: {  	[sflag:s8] =	ssyncset.s32 @!p0 $0xFFFFF086;
	s6 =	sadd.s32 @!p0 s3, s7;
	s7 =	simm.s32 @!p0 $0x108  }
0x21: {  	s3 =	sadd.s32 s3, s9;
	s6 =	sadd.s32 @!p0 $0x88, s6;
	s7 =	simm.s32 @p2 $0x1082  }
0x22: {  	[simem:s7], [sflag:s8] =	dma.local @!p0 [hbm:s6], $0xF7A  }
0x23: {  	s9 =	sor.u32 $0xD0000000, s2;
	s6 =	simm.s32 $0x108;
	_ =	swait.ge @!p0 [sflag:s8], $0x0  }
0x24: {  	s3 =	sadd.s32 $0x88, s3;
	s6 =	simm.s32 @!p1 $0x1082;
	[sflag:s4] =	ssyncset.s32 $0xFFFFF086  }
0x25: {  	[simem:s6], [sflag:s4] =	dma.local [hbm:s3], $0xF7A  }
0x26: {  	[smem:$0x3F9B] =	sst s1;
	(tag) =	ssettag s2;
	_ =	strace s9  }
0x27: {  	s1 =	sld [smem:$0x3FAB]  }
0x28: {  	s2 =	sld [smem:$0x3FAC]  }
0x29: {  	s4 =	sld [smem:$0x3FAE]  }
0x2a: {  	p0 =	seq.s32 s5, $0x0;
	s5 =	sld [smem:$0x3FAF]  }
0x2b: {  	s6 =	sld [smem:$0x3FB0]  }
0x2c: {  	s7 =	sld [smem:$0x3FB1]  }
0x2d: {  	s3 =	simm.s32 $0x108;
	s8 =	sld [smem:$0x3FB2]  }
0x2e: {  	s3 =	simm.s32 @!p0 $0x1082;
	s9 =	sld [smem:$0x3FB3]  }
0x2f: {  	lr =	sadd.s32 s0, s3;
	s0 =	sld [smem:$0x3FAA]  }
0x30: {  	s3 =	sld [smem:$0x3FAD]  }
0x31: {  	[smem:$0x3FB6] =	sst s10  }
0x32: {  	s10 =	sld [smem:$0x3FB4];
	_ =	sdelay $0x3  }
0x33: {  	p0 =	seq.s32 s10, $0x1;
	s10 =	sld [smem:$0x3FB6];
	_ =	sdelay $0x3  }
0x34: {  	[smem:$0x3FB6] =	sst s10  }
0x35: {  	s10 =	sld [smem:$0x3FB5];
	_ =	sdelay $0x3  }
0x36: {  	p1 =	seq.s32 s10, $0x1;
	s10 =	sld [smem:$0x3FB6];
	_ =	sdelay $0x3  }
0x37: {  	[smem:$0x3FB6] =	sst s10  }
0x38: {  	s10 =	sld [smem:$0x3FB7]  }
0x39: {  	_ = 	snop;
	(pc) =	sbr.ind lr, $3  }
0x3a: {  	_ = 	snop  }
0x3b: {  	_ = 	snop  }
0x3c: {  	p2 =	seq.s32 s10, $0x1;
	s10 =	sld [smem:$0x3FB6]  }
0x3d: {  	_ =	shalt  }
0x3e: {  	_ =	shalt  }
0x3f: {  	_ =	shalt  }
0x40: {  	_ =	shalt  }
0x41: {  	_ =	shalt  }
0x42: {  	_ =	shalt  }
0x43: {  	_ =	shalt  }
0x44: {  	_ =	shalt  }
0x45: {  	_ =	shalt  }
0x46: {  	_ =	shalt  }
0x47: {  	_ =	shalt  }
0x48: {  	_ =	shalt  }
0x49: {  	_ =	shalt  }
0x4a: {  	_ =	shalt  }
0x4b: {  	_ =	shalt  }
0x4c: {  	_ =	shalt  }
0x4d: {  	_ =	shalt  }
0x4e: {  	_ =	shalt  }
0x4f: {  	_ =	shalt  }
0x50: {  	_ =	shalt  }
0x51: {  	_ =	shalt  }
0x52: {  	_ =	shalt  }
0x53: {  	_ =	shalt  }
0x54: {  	_ =	shalt  }
0x55: {  	_ =	shalt  }
0x56: {  	_ =	shalt  }
0x57: {  	_ =	shalt  }
0x58: {  	_ =	shalt  }
0x59: {  	_ =	shalt  }
0x5a: {  	_ =	shalt  }
0x5b: {  	_ =	shalt  }
0x5c: {  	_ =	shalt  }
0x5d: {  	_ =	shalt  }
0x5e: {  	_ =	shalt  }
0x5f: {  	_ =	shalt  }
0x60: {  	_ =	shalt  }
0x61: {  	_ =	shalt  }
0x62: {  	_ =	shalt  }
0x63: {  	_ =	shalt  }
0x64: {  	_ =	shalt  }
0x65: {  	_ =	shalt  }
0x66: {  	_ =	shalt  }
0x67: {  	_ =	shalt  }
0x68: {  	_ =	shalt  }
0x69: {  	_ =	shalt  }
0x6a: {  	_ =	shalt  }
0x6b: {  	_ =	shalt  }
0x6c: {  	_ =	shalt  }
0x6d: {  	_ =	shalt  }
0x6e: {  	_ =	shalt  }
0x6f: {  	_ =	shalt  }
0x70: {  	_ =	shalt  }
0x71: {  	_ =	shalt  }
0x72: {  	_ =	shalt  }
0x73: {  	_ =	shalt  }
0x74: {  	_ =	shalt  }
0x75: {  	_ =	shalt  }
0x76: {  	_ =	shalt  }
0x77: {  	_ =	shalt  }
0x78: {  	_ =	shalt  }
0x79: {  	_ =	shalt  }
0x7a: {  	_ =	shalt  }
0x7b: {  	_ =	shalt  }
0x7c: {  	_ =	shalt  }
0x7d: {  	_ =	shalt  }
0x7e: {  	_ =	shalt  }
0x7f: {  	_ =	shalt  }
0x80: {  	_ =	shalt  }
0x81: {  	_ =	shalt  }
0x82: {  	_ =	shalt  }
0x83: {  	_ =	shalt  }
0x84: {  	_ =	shalt  }
0x85: {  	_ =	shalt  }
0x86: {  	_ =	shalt  }
0x87: {  	_ =	shalt  }
.Lfunc_end0:
.L_simem_size_0:
called_computation.2_lowered:
.L_overlay_start_0:
0x88: {  	s2 =	sld [smem:$0x3FD9]  }
0x89: {  	s3 =	sld [smem:$0x3FFE];
	_ =	sdelay $0x1  }
0x8a: {  	s1 =	srdreg.scid  }
0x8b: {  	s0 =	sand.u32 $0x1, s1  }
0x8c: {  	s17 =	sshll.u32 s0, $0xA;
	s2 =	sadd.s32 s3, s2  }
0x8d: {  	s2 =	sadd.s32 s2, s17  }
0x8e: {  	[smem:$0x3FC2] =	sst s2  }
0x8f: {  	_ = 	snop  }
0x90: {  	s2 =	sld [smem:$0x3FD0];
	(tm) =	ssettm $0x1  }
0x91: {  	s18 =	sld [smem:$0x3FFB];
	_ =	sdelay $0x3  }
0x92: {  	_ =	strace s18  }
0x93: {  	s3 =	sld [smem:$0x3FFC];
	_ =	sdelay $0x3  }
0x94: {  	_ =	strace s3  }
0x95: {  	s3 =	sld [smem:$0x3FFD];
	_ =	sdelay $0x3  }
0x96: {  	_ =	strace s3  }
0x97: {  	_ =	strace $0x8FFFFFFF  }
0x98: {  	s19 =	sld [smem:$0x3FDB];
	_ =	sdelay $0x1  }
0x99: {  	s4 =	simm.s32 $_scs_section_size  }
0x9a: {  	s5 =	simm.s32 $_size__tile_overlayer_lowered;
	s6 =	simm.s32 $_tile_overlayer_lowered  }
0x9b: {  	s22 =	simm.s32 $0x1BFF;
	s21 =	sshll.u32 s6, $0x1;
	s3 =	sadd.s32 s4, s19  }
0x9c: {  	s7 =	simm.s32 $0x0;
	s20 =	sshll.u32 s5, $0x1;
	s5 =	sadd.s32 s21, s3  }
0x9d: {  	[timem:s7], [sflag:s22] =	dma.local [hbm:s5], s20  }
0x9e: {  	_ =	swait.ge [sflag:s22], s20  }
0x9f: {  	s4 =	ssub.s32 $0x0, s20;
	[sflag:s22] =	ssyncset.done $0x0  }
0xa0: {  	[sflag:s22] =	ssyncadd.s32 s4;
	_ =	sdelay $0x1  }
0xa1: {  	s23 =	simm.s32 $0x1B8B  }
0xa2: {  	_ =	swait.ge [sflag:s23], $0x1  }
0xa3: {  	[sflag:s23] =	ssyncset.done $0x0  }
0xa4: {  	s25 =	simm.s32 $0x1B8E;
	s24 =	sld [smem:$0x3FFE];
	[sflag:s23] =	ssyncadd.s32 $0xFFFFFFFF  }
0xa5: {  	s26 =	simm.s32 $execute0_lowered;
	[smem:$0x3FD2] =	sst s25  }
0xa6: {  	s5 =	sshll.u32 s26, $0x1;
	_ =	strace $0x8000004C;
	[dreg:$0x1] =	wrdreg $0xFFFFFFFF  }
0xa7: {  	s28 =	simm.s32 $_size_execute0_lowered;
	s3 =	sadd.s32 s3, s5;
	[dreg:$0x0] =	wrdreg $0x0  }
0xa8: {  	s5 =	sshll.u32 s28, $0x1;
	[dreg:$0x2] =	wrdreg s3  }
0xa9: {  	[dreg:$0x3] =	wrdreg s5  }
0xaa: {  	[dreg:$0x4] =	wrdreg $0xC0  }
0xab: {  	_ =	task [dreg:s7], $0x5FFFF  }
0xac: {  	[dreg:$0x1] =	wrdreg $0xFFFFFFFF  }
0xad: {  	[dreg:$0x0] =	wrdreg $0x60  }
0xae: {  	[dreg:$0x2] =	wrdreg s2  }
0xaf: {  	[dreg:$0x3] =	wrdreg s24  }
0xb0: {  	[dreg:$0x4] =	wrdreg $0xC3000  }
0xb1: {  	[dreg:$0x5] =	wrdreg $0x9  }
0xb2: {  	_ =	task.clear_ibuf [dreg:s7], $0x6FFFF;
	_ =	strace $0x9000004C  }
0xb3: {  	s29 =	simm.s32 $0x9;
	_ =	strace $0x8000004E  }
0xb4: {  	_ =	swait.ge [sflag:s29], $0x1  }
0xb5: {  	[sflag:s29] =	ssyncadd.s32 $0xFFFFFFFF  }
0xb6: {  	_ =	strace $0x9000004E  }
0xb7: {  	_ =	sfence  }
0xb8: {  	s30 =	sld [smem:$0x0];
	_ =	sdelay $0x2  }
0xb9: {  	s31 =	sshll.u32 s1, $0xD;
	s1 =	sshrl.u32 s1, $0x2  }
0xba: {  	s3 =	sand.u32 $0x4000, s31;
	s1 =	sadd.s32 s1, s30  }
0xbb: {  	s0 =	sor.u32 s3, s0;
	s1 =	sshll.u32 s1, $0x11  }
0xbc: {  	s0 =	sor.u32 s1, s0  }
0xbd: {  	s0 =	sadd.s32 $0x8F2B, s0  }
0xbe: {  	[sflag:s0] =	ssyncadd.remote.s32 $0x1  }
0xbf: {  	_ =	sfence.sel $0xFFFF  }
0xc0: {  	[dreg:$0x0] =	wrdreg $0xFFFFFFFF;
	(pc) =	sbr.abs _section_cstart, $3  }
0xc1: {  	[dreg:$0x1] =	wrdreg $0xFFFFFFFF  }
0xc2: {  	_ =	task.clear_ibuf [dreg:s7], $0x2FFFF;
	_ =	strace $0x9FFFFFFF  }
0xc3: {  	(tm) =	ssettm $0x7FFFFFFF  }
tec
execute0_lowered:
.L_overlay_start_1:
0x0: {  	(tag) =	ssettag $0x1  }
0x1: {  	s1 =	rddreg [dreg:$0x0]  }
0x2: {  	s0 =	rddreg [dreg:$0x1];
	s2 =	srdreg.scid  }
0x3: {  	s3 =	rddreg [dreg:$0x2];
	s15 =	stileid.u32;
	s4 =	simm.s32 $0x0  }
0x4: {  	s28 =	simm.s32 $0x80;
	s29 =	simm.s32 $0x200;
	s30 =	simm.s32 $0x2  }
0x5: {  	s31 =	simm.s32 $0x4300;
	s2 =	sand.u32 $0x1, s2;
	s6 =	smul.u32 $0x2700, s15  }
0x6: {  	[smem:$0x7FF] =	sst s4;
	s7 =	sadd.s32 $0x5AE00, s0;
	s11 =	smul.u32 $0x4E000, s15  }
0x7: {  	s12 =	sadd.s32 $0x6EE00, s0;
	s14 =	sadd.s32 $0x124800, s3;
	s20 =	smul.u32 $0x5000, s15  }
0x8: {  	p0 =	sne.s32 s15, $0xF;
	s5 =	sshll.u32 s2, $0x4;
	s16 =	smul.u32 $0x27100, s2  }
0x9: {  	_ =	strace $0x8000004D;
	s9 =	ssub.s32 $0x2, s2;
	s18 =	smul.u32 $0x138800, s2  }
0xa: {  	[dreg:$0x7] =	wrdreg s14;
	s2 =	smul.u32 $0x50000, s2;
	s5 =	sor.u32 s15, s5  }
0xb: {  	s8 =	sadd.s32 s6, s0;
	s13 =	sshrl.u32 s9, $0x1;
	s11 =	sshrl.u32 s11, $0x2  }
0xc: {  	s0 =	sadd.s32 $0x4E700, s0;
	s5 =	smul.u32 $0x5000, s5;
	s9 =	ssub.s32 s9, s13  }
0xd: {  	s8 =	sadd.s32 $0x29E00, s8;
	s13 =	sshll.u32 s15, $0x6;
	[dreg:$0x8] =	wrdreg s0  }
0xe: {  	s6 =	sadd.s32 s6, s16;
	s19 =	sshrl.u32 s18, $0x3;
	s2 =	sadd.s32 s20, s2  }
0xf: {  	s20 =	simm.s32 $0x100;
	[dreg:$0x6] =	wrdreg s8;
	s8 =	sor.u32 $0x1C0A, s13  }
0x10: {  	s6 =	sadd.s32 s12, s6;
	s21 =	smax.u32 s9, $0x1;
	s24 =	sor.u32 $0x700, s2  }
0x11: {  	s25 =	sor.u32 $0x600, s2;
	s2 =	sor.u32 $0x500, s2;
	s9 =	simm.s32 $0x8300  }
0x12: {  	s13 =	simm.s32 $0x0;
	s10 =	sshrl.u32 s5, $0x3;
	s17 =	sor.u32 $0x200, s5  }
0x13: {  	s14 =	sor.u32 $0x300, s5;
	s5 =	sor.u32 $0x400, s5;
	[dreg:$0x9] =	wrdreg s6  }
0x14: {  	s6 =	sadd.s32 s12, s19;
	[dreg:$0xb] =	wrdreg s21;
	s26 =	sshrl.u32 s25, $0x3  }
0x15: {  	s2 =	sshrl.u32 s2, $0x3;
	s25 =	simm.s32 $0x300;
	s12 =	simm.s32 $0x9  }
0x16: {  	s10 =	sadd.s32 s7, s10;
	s0 =	sshrl.u32 s17, $0x3;
	s6 =	sadd.s32 $0x24900, s6  }
0x17: {  	s22 =	sshrl.u32 s14, $0x3;
	s5 =	sshrl.u32 s5, $0x3;
	s18 =	sadd.s32 s26, s7  }
0x18: {  	s19 =	sadd.s32 s2, s7;
	s26 =	simm.s32 $0x4;
	[dreg:$0x4] =	wrdreg s10  }
0x19: {  	s2 =	simm.s32 $0x7;
	s10 =	sadd.s32 $0x20, s10;
	[dreg:$0xa] =	wrdreg s6  }
0x1a: {  	s0 =	sadd.s32 s7, s0;
	s23 =	sadd.s32 s7, s5;
	[dreg:$0x5] =	wrdreg s10  }
0x1b: {  	s6 =	simm.s32 $0x180;
	s5 =	simm.s32 $0x6;
	[dreg:$0xc] =	wrdreg s0  }
0x1c: {  	s10 =	sadd.s32 s11, s3;
	s0 =	sadd.s32 s7, s22;
	[dreg:$0xe] =	wrdreg s23  }
0x1d: {  	s22 =	simm.s32 $0xA;
	s23 =	simm.s32 $0x1;
	s11 =	simm.s32 $0x280  }
0x1e: {  	[dreg:$0xd] =	wrdreg s0;
	s0 =	sshrl.u32 s24, $0x3;
	s16 =	sshrl.u32 s10, $0x3  }
0x1f: {  	s24 =	simm.s32 $0x7D;
	s10 =	simm.s32 $0x8;
	s17 =	sadd.s32 s0, s7  }
0x20: {  	s0 =	simm.s32 $0x5;
	s7 =	simm.s32 $0x3;
	[dreg:$0xf] =	wrdreg s16  }
.LBB2_1:
0x21: {  	s14 =	rddreg [dreg:$0x4]  }
0x22: {  	s21 =	rddreg [dreg:$0x5]  }
0x23: {  	[tilespmem:s4], [sflag:$0x1] =	stream.linear.gather [hbm4b:s14+s4], $0x100, $0x38;
	[tilespmem:$0x1FB80] =	vst v63  }
0x24: {  	s15 =	rddreg [dreg:$0x6]  }
0x25: {  	[tilespmem:s20], [sflag:$0x2] =	stream.linear.gather [hbm4b:s21+s4], $0x100, $0x38;
	[tilespmem:$0x1FB80] =	vst v63  }
0x26: {  	[spmem:s16], [sflag:s8] =	dma.local [hbm:s15], $0x2700  }
0x27: {  	_ =	swait.ge [sflag:s22], $0x2700  }
0x28: {  	[sflag:s22] =	ssyncset.done $0x0;
	s14 =	rddreg [dreg:$0x7]  }
0x29: {  	s15 =	rddreg [dreg:$0x8];
	[sflag:s22] =	ssyncadd.s32 $0xFFFFD900;
	s14 =	sshrl.u32 @!p0 s14, $0x3  }
0x2a: {  	[spmem:s14], [sflag:s8] =	dma.local @!p0 [hbm:s15], $0x2800  }
0x2b: {  	s15 =	simm.s32 @!p0 $0xA  }
0x2c: {  	_ =	swait.ge @!p0 [sflag:s15], $0x2800  }
0x2d: {  	[sflag:s15] =	ssyncset.done @!p0 $0x0  }
0x2e: {  	[sflag:s15] =	ssyncadd.s32 @!p0 $0xFFFFD800  }
0x2f: {  	[bflag:$0x0] =	sbarrier.arrive $0xFFFF  }
0x30: {  	_ =	swait.ge [sflag:s23], $0x100  }
0x31: {  	[sflag:s23] =	ssyncset.done $0x0  }
0x32: {  	[sflag:s23] =	ssyncadd.s32 $0xFFFFFF00  }
0x33: {  	[tilespmem:s25], [sflag:$0x4] =	stream.indirect.gather [hbm4b:s1+s24], $0x80, s4, s24, $0xb8;
	[tilespmem:$0x1FB80] =	vst v63  }
0x34: {  	_ =	swait.ge [sflag:s26], $0x3E80  }
0x35: {  	[sflag:s26] =	ssyncset.done $0x0  }
0x36: {  	[sflag:s26] =	ssyncadd.s32 $0xFFFFC180  }
0x37: {  	[spmem:s3] =	stream.indirect.scatter.add.f32 [tilespmem:s25], [sflag:$0x7], $0x80, s28, s24, $0xb8;
	[tilespmem:$0x1FB80] =	vst v63  }
0x38: {  	s16 =	rddreg [dreg:$0xc]  }
0x39: {  	[tilespmem:s29], [sflag:$0x3] =	stream.linear.gather [hbm4b:s16+s4], $0x100, $0x38;
	[tilespmem:$0x1FB80] =	vst v63  }
0x3a: {  	_ =	swait.ge [sflag:s30], $0x100  }
0x3b: {  	[sflag:s30] =	ssyncset.done $0x0  }
0x3c: {  	[sflag:s30] =	ssyncadd.s32 $0xFFFFFF00  }
0x3d: {  	[tilespmem:s31], [sflag:$0x5] =	stream.indirect.gather [hbm4b:s1+s24], $0x80, s20, s24, $0xb8;
	[tilespmem:$0x1FB80] =	vst v63  }
0x3e: {  	_ =	swait.ge [sflag:s0], $0x3E80  }
0x3f: {  	[sflag:s0] =	ssyncset.done $0x0  }
0x40: {  	[sflag:s0] =	ssyncadd.s32 $0xFFFFC180  }
0x41: {  	_ =	swait.ge [sflag:s2], $0x3E80  }
0x42: {  	[sflag:s2] =	ssyncset.done $0x0  }
0x43: {  	[sflag:s2] =	ssyncadd.s32 $0xFFFFC180  }
0x44: {  	[spmem:s3] =	stream.indirect.scatter.add.f32 [tilespmem:s31], [sflag:$0x8], $0x80, s6, s24, $0xb8;
	[tilespmem:$0x1FB80] =	vst v63  }
0x45: {  	s21 =	rddreg [dreg:$0xd]  }
0x46: {  	[tilespmem:s4], [sflag:$0x1] =	stream.linear.gather [hbm4b:s21+s4], $0x100, $0x38;
	[tilespmem:$0x1FB80] =	vst v63  }
0x47: {  	_ =	swait.ge [sflag:s7], $0x100  }
0x48: {  	[sflag:s7] =	ssyncset.done $0x0  }
0x49: {  	[sflag:s7] =	ssyncadd.s32 $0xFFFFFF00  }
0x4a: {  	[tilespmem:s9], [sflag:$0x6] =	stream.indirect.gather [hbm4b:s1+s24], $0x80, s29, s24, $0xb8;
	[tilespmem:$0x1FB80] =	vst v63  }
0x4b: {  	_ =	swait.ge [sflag:s5], $0x3E80  }
0x4c: {  	[sflag:s5] =	ssyncset.done $0x0  }
0x4d: {  	[sflag:s5] =	ssyncadd.s32 $0xFFFFC180  }
0x4e: {  	_ =	swait.ge [sflag:s10], $0x3E80  }
0x4f: {  	[sflag:s10] =	ssyncset.done $0x0  }
0x50: {  	[sflag:s10] =	ssyncadd.s32 $0xFFFFC180  }
0x51: {  	[spmem:s3] =	stream.indirect.scatter.add.f32 [tilespmem:s9], [sflag:$0x9], $0x80, s11, s24, $0xb8;
	[tilespmem:$0x1FB80] =	vst v63  }
0x52: {  	s16 =	rddreg [dreg:$0xe]  }
0x53: {  	[tilespmem:s20], [sflag:$0x2] =	stream.linear.gather [hbm4b:s16+s4], $0x100, $0x38;
	[tilespmem:$0x1FB80] =	vst v63  }
0x54: {  	_ =	swait.ge [sflag:s23], $0x100  }
0x55: {  	[sflag:s23] =	ssyncset.done $0x0  }
0x56: {  	[sflag:s23] =	ssyncadd.s32 $0xFFFFFF00  }
0x57: {  	[tilespmem:s25], [sflag:$0x4] =	stream.indirect.gather [hbm4b:s1+s24], $0x80, s4, s24, $0xb8;
	[tilespmem:$0x1FB80] =	vst v63  }
0x58: {  	_ =	swait.ge [sflag:s26], $0x3E80  }
0x59: {  	[sflag:s26] =	ssyncset.done $0x0  }
0x5a: {  	[sflag:s26] =	ssyncadd.s32 $0xFFFFC180  }
0x5b: {  	_ =	swait.ge [sflag:s12], $0x3E80  }
0x5c: {  	[sflag:s12] =	ssyncset.done $0x0  }
0x5d: {  	[sflag:s12] =	ssyncadd.s32 $0xFFFFC180  }
0x5e: {  	[spmem:s3] =	stream.indirect.scatter.add.f32 [tilespmem:s25], [sflag:$0x7], $0x80, s28, s24, $0xb8;
	[tilespmem:$0x1FB80] =	vst v63  }
0x5f: {  	s21 =	sadd.s32 $0x0, s19  }
0x60: {  	[tilespmem:s29], [sflag:$0x3] =	stream.linear.gather [hbm4b:s21+s4], $0x100, $0x38;
	[tilespmem:$0x1FB80] =	vst v63  }
0x61: {  	_ =	swait.ge [sflag:s30], $0x100  }
0x62: {  	[sflag:s30] =	ssyncset.done $0x0  }
0x63: {  	[sflag:s30] =	ssyncadd.s32 $0xFFFFFF00  }
0x64: {  	[tilespmem:s31], [sflag:$0x5] =	stream.indirect.gather [hbm4b:s1+s24], $0x80, s20, s24, $0xb8;
	[tilespmem:$0x1FB80] =	vst v63  }
0x65: {  	_ =	swait.ge [sflag:s0], $0x3E80  }
0x66: {  	[sflag:s0] =	ssyncset.done $0x0  }
0x67: {  	[sflag:s0] =	ssyncadd.s32 $0xFFFFC180  }
0x68: {  	_ =	swait.ge [sflag:s2], $0x3E80  }
0x69: {  	[sflag:s2] =	ssyncset.done $0x0  }
0x6a: {  	[sflag:s2] =	ssyncadd.s32 $0xFFFFC180  }
0x6b: {  	[spmem:s3] =	stream.indirect.scatter.add.f32 [tilespmem:s31], [sflag:$0x8], $0x80, s6, s24, $0xb8;
	[tilespmem:$0x1FB80] =	vst v63  }
0x6c: {  	s16 =	sadd.s32 $0x0, s18  }
0x6d: {  	[tilespmem:s4], [sflag:$0x1] =	stream.linear.gather [hbm4b:s16+s4], $0x100, $0x38;
	[tilespmem:$0x1FB80] =	vst v63  }
0x6e: {  	_ =	swait.ge [sflag:s7], $0x100  }
0x6f: {  	[sflag:s7] =	ssyncset.done $0x0  }
0x70: {  	[sflag:s7] =	ssyncadd.s32 $0xFFFFFF00  }
0x71: {  	[tilespmem:s9], [sflag:$0x6] =	stream.indirect.gather [hbm4b:s1+s24], $0x80, s29, s24, $0xb8;
	[tilespmem:$0x1FB80] =	vst v63  }
0x72: {  	_ =	swait.ge [sflag:s5], $0x3E80  }
0x73: {  	[sflag:s5] =	ssyncset.done $0x0  }
0x74: {  	[sflag:s5] =	ssyncadd.s32 $0xFFFFC180  }
0x75: {  	_ =	swait.ge [sflag:s10], $0x3E80  }
0x76: {  	[sflag:s10] =	ssyncset.done $0x0  }
0x77: {  	[sflag:s10] =	ssyncadd.s32 $0xFFFFC180  }
0x78: {  	[spmem:s3] =	stream.indirect.scatter.add.f32 [tilespmem:s9], [sflag:$0x9], $0x80, s11, s24, $0xb8;
	[tilespmem:$0x1FB80] =	vst v63  }
0x79: {  	s21 =	sadd.s32 $0x0, s17  }
0x7a: {  	[tilespmem:s20], [sflag:$0x2] =	stream.linear.gather [hbm4b:s21+s4], $0x100, $0x38;
	[tilespmem:$0x1FB80] =	vst v63  }
0x7b: {  	_ =	swait.ge [sflag:s23], $0x100  }
0x7c: {  	[sflag:s23] =	ssyncset.done $0x0  }
0x7d: {  	s15 =	simm.s32 $0x60;
	[sflag:s23] =	ssyncadd.s32 $0xFFFFFF00  }
.LBB2_2:
0x7e: {  	[tilespmem:s25], [sflag:$0x4] =	stream.indirect.gather [hbm4b:s1+s24], $0x80, s4, s24, $0xb8;
	[tilespmem:$0x1FB80] =	vst v63  }
0x7f: {  	s16 =	smov.u32 s15  }
0x80: {  	p1 =	sne.s32 s15, $0x900;
	s15 =	sadd.s32 $0x60, s15;
	_ =	swait.ge [sflag:s26], $0x3E80  }
0x81: {  	[sflag:s26] =	ssyncset.done $0x0  }
0x82: {  	[sflag:s26] =	ssyncadd.s32 $0xFFFFC180  }
0x83: {  	_ =	swait.ge [sflag:s12], $0x3E80  }
0x84: {  	[sflag:s12] =	ssyncset.done $0x0  }
0x85: {  	[sflag:s12] =	ssyncadd.s32 $0xFFFFC180  }
0x86: {  	[spmem:s3] =	stream.indirect.scatter.add.f32 [tilespmem:s25], [sflag:$0x7], $0x80, s28, s24, $0xb8;
	[tilespmem:$0x1FB80] =	vst v63  }
0x87: {  	s21 =	sadd.s32 s16, s19  }
0x88: {  	[tilespmem:s29], [sflag:$0x3] =	stream.linear.gather [hbm4b:s21+s4], $0x100, $0x38;
	[tilespmem:$0x1FB80] =	vst v63  }
0x89: {  	_ =	swait.ge [sflag:s30], $0x100  }
0x8a: {  	[sflag:s30] =	ssyncset.done $0x0  }
0x8b: {  	[sflag:s30] =	ssyncadd.s32 $0xFFFFFF00  }
0x8c: {  	[tilespmem:s31], [sflag:$0x5] =	stream.indirect.gather [hbm4b:s1+s24], $0x80, s20, s24, $0xb8;
	[tilespmem:$0x1FB80] =	vst v63  }
0x8d: {  	_ =	swait.ge [sflag:s0], $0x3E80  }
0x8e: {  	[sflag:s0] =	ssyncset.done $0x0  }
0x8f: {  	[sflag:s0] =	ssyncadd.s32 $0xFFFFC180  }
0x90: {  	_ =	swait.ge [sflag:s2], $0x3E80  }
0x91: {  	[sflag:s2] =	ssyncset.done $0x0  }
0x92: {  	[sflag:s2] =	ssyncadd.s32 $0xFFFFC180  }
0x93: {  	[spmem:s3] =	stream.indirect.scatter.add.f32 [tilespmem:s31], [sflag:$0x8], $0x80, s6, s24, $0xb8;
	[tilespmem:$0x1FB80] =	vst v63  }
0x94: {  	s21 =	sadd.s32 s16, s18  }
0x95: {  	[tilespmem:s4], [sflag:$0x1] =	stream.linear.gather [hbm4b:s21+s4], $0x100, $0x38;
	[tilespmem:$0x1FB80] =	vst v63  }
0x96: {  	_ =	swait.ge [sflag:s7], $0x100  }
0x97: {  	[sflag:s7] =	ssyncset.done $0x0  }
0x98: {  	[sflag:s7] =	ssyncadd.s32 $0xFFFFFF00  }
0x99: {  	[tilespmem:s9], [sflag:$0x6] =	stream.indirect.gather [hbm4b:s1+s24], $0x80, s29, s24, $0xb8;
	[tilespmem:$0x1FB80] =	vst v63  }
0x9a: {  	_ =	swait.ge [sflag:s5], $0x3E80  }
0x9b: {  	[sflag:s5] =	ssyncset.done $0x0  }
0x9c: {  	[sflag:s5] =	ssyncadd.s32 $0xFFFFC180  }
0x9d: {  	_ =	swait.ge [sflag:s10], $0x3E80  }
0x9e: {  	[sflag:s10] =	ssyncset.done $0x0  }
0x9f: {  	[sflag:s10] =	ssyncadd.s32 $0xFFFFC180  }
0xa0: {  	[spmem:s3] =	stream.indirect.scatter.add.f32 [tilespmem:s9], [sflag:$0x9], $0x80, s11, s24, $0xb8;
	[tilespmem:$0x1FB80] =	vst v63  }
.Ltmp0:
0xa1: {  	s16 =	sadd.s32 s16, s17;
	(pc) =	sbr.rel @p1 .LBB2_2-.Ltmp0, $4  }
0xa2: {  	[tilespmem:s20], [sflag:$0x2] =	stream.linear.gather [hbm4b:s16+s4], $0x100, $0x38;
	[tilespmem:$0x1FB80] =	vst v63  }
0xa3: {  	_ =	swait.ge [sflag:s23], $0x100  }
0xa4: {  	[sflag:s23] =	ssyncset.done $0x0  }
0xa5: {  	[sflag:s23] =	ssyncadd.s32 $0xFFFFFF00  }
0xa6: {  	[tilespmem:s25], [sflag:$0x4] =	stream.indirect.gather [hbm4b:s1+s24], $0x80, s4, s24, $0xb8;
	[tilespmem:$0x1FB80] =	vst v63  }
0xa7: {  	_ =	swait.ge [sflag:s26], $0x3E80  }
0xa8: {  	[sflag:s26] =	ssyncset.done $0x0  }
0xa9: {  	[sflag:s26] =	ssyncadd.s32 $0xFFFFC180  }
0xaa: {  	_ =	swait.ge [sflag:s12], $0x3E80  }
0xab: {  	[sflag:s12] =	ssyncset.done $0x0  }
0xac: {  	[sflag:s12] =	ssyncadd.s32 $0xFFFFC180  }
0xad: {  	[spmem:s3] =	stream.indirect.scatter.add.f32 [tilespmem:s25], [sflag:$0x7], $0x80, s28, s24, $0xb8;
	[tilespmem:$0x1FB80] =	vst v63  }
0xae: {  	_ =	swait.ge [sflag:s30], $0x100  }
0xaf: {  	[sflag:s30] =	ssyncset.done $0x0  }
0xb0: {  	[sflag:s30] =	ssyncadd.s32 $0xFFFFFF00  }
0xb1: {  	[tilespmem:s31], [sflag:$0x5] =	stream.indirect.gather [hbm4b:s1+s24], $0x80, s20, s24, $0xb8;
	[tilespmem:$0x1FB80] =	vst v63  }
0xb2: {  	_ =	swait.ge [sflag:s0], $0x3E80  }
0xb3: {  	[sflag:s0] =	ssyncset.done $0x0  }
0xb4: {  	[sflag:s0] =	ssyncadd.s32 $0xFFFFC180  }
0xb5: {  	_ =	swait.ge [sflag:s2], $0x3E80  }
0xb6: {  	[sflag:s2] =	ssyncset.done $0x0  }
0xb7: {  	[sflag:s2] =	ssyncadd.s32 $0xFFFFC180  }
0xb8: {  	[spmem:s3] =	stream.indirect.scatter.add.f32 [tilespmem:s31], [sflag:$0x8], $0x80, s6, s24, $0xb8;
	[tilespmem:$0x1FB80] =	vst v63  }
0xb9: {  	_ =	swait.ge [sflag:s10], $0x3E80  }
0xba: {  	[sflag:s10] =	ssyncset.done $0x0  }
0xbb: {  	[sflag:s10] =	ssyncadd.s32 $0xFFFFC180  }
0xbc: {  	[bflag:$0x0] =	sbarrier.arrive $0xFFFF  }
0xbd: {  	s15 =	rddreg [dreg:$0x9]  }
0xbe: {  	s16 =	rddreg [dreg:$0xf]  }
0xbf: {  	[hbm:s15], [sflag:s8] =	dma.local [spmem:s16], $0x2700  }
0xc0: {  	_ =	swait.ge [sflag:s22], $0x2700  }
0xc1: {  	[sflag:s22] =	ssyncset.done $0x0  }
0xc2: {  	s15 =	rddreg [dreg:$0xa];
	[sflag:s22] =	ssyncadd.s32 $0xFFFFD900  }
0xc3: {  	[hbm:s15], [sflag:s8] =	dma.local @!p0 [spmem:s14], $0x2800  }
0xc4: {  	s14 =	simm.s32 @!p0 $0xA  }
0xc5: {  	_ =	swait.ge @!p0 [sflag:s14], $0x2800  }
0xc6: {  	s13 =	sadd.s32 $0x1, s13;
	s21 =	rddreg [dreg:$0xb]  }
0xc7: {  	p1 =	sne.s32 s13, s21  }
.Ltmp1:
0xc8: {  	_ = 	snop;
	(pc) =	sbr.rel @p1 .LBB2_1-.Ltmp1, $3  }
0xc9: {  	_ =	sdelay $0x1  }
0xca: {  	[sflag:s14] =	ssyncset.done @!p0 $0x0  }
0xcb: {  	[sflag:s14] =	ssyncadd.s32 @!p0 $0xFFFFD800  }
0xcc: {  	_ =	sfence.sel $0x180000  }
0xcd: {  	[bflag:$0x0] =	sbarrier.arrive $0xFFFF  }
0xce: {  	_ =	strace $0x9000004D  }
0xcf: {  	s0 =	stileid.u32;
	[bflag:$0x2] =	sbarrier.arrive $0xFFFF  }
0xd0: {  	p0 =	sne.s32 s0, $0x0;
	s0 =	rddreg [dreg:$0x3]  }
0xd1: {  	s0 =	sadd.s32 @!p0 $0x100000, s0  }
0xd2: {  	[sflag:s0] =	ssyncadd.tile.s32 @!p0 $0x1;
	_ =	shalt  }
.Lfunc_end2:
_tile_overlayer_lowered:
.L_overlay_start_2:
0xd3: {  	(tag) =	ssettag $0x2  }
0xd4: {  	s0 =	rddreg [dreg:$0x0];
	s2 =	stileid.u32  }
0xd5: {  	s1 =	rddreg [dreg:$0x1];
	p0 =	sne.s32 s2, $0x0  }
0xd6: {  	s3 =	rddreg [dreg:$0x2];
	[bflag:$0x3] =	sbarrier.arrive $0xFFFF;
	s2 =	simm.s32 @!p0 $0x1C0A  }
0xd7: {  	[timem:s3], [sflag:s2] =	dma.local @!p0 [hbm:s0], s1  }
0xd8: {  	s0 =	simm.s32 @!p0 $0xA  }
0xd9: {  	_ =	swait.ge @!p0 [sflag:s0], s1  }
0xda: {  	s1 =	ssub.s32 @!p0 $0x0, s1;
	[sflag:s0] =	ssyncset.done @!p0 $0x0  }
0xdb: {  	[sflag:s0] =	ssyncadd.s32 @!p0 s1  }
0xdc: {  	[bflag:$0x3] =	sbarrier.arrive $0xFFFF  }
0xdd: {  	_ =	shalt  }

// kernel: kernel.8.cloned.1.call-start
scs
__scs_entry_jumppad:
0x0: {  	(pc) =	sbr.rel $0x88, $3  }
0x1: {  	(tag) =	ssettag $0x0;
	lr =	simm.s32 $0x1  }
0x2: {  	[smem:$0x3F9B] =	sst lr;
	_ =	strace $0xD0000000  }
0x3: {  	_ = 	snop  }
0x4: {  	_ = 	snop  }
0x5: {  	_ = 	snop  }
0x6: {  	_ = 	snop  }
0x7: {  	_ = 	snop  }
__scs_overlays_trampoline_lowered:
0x8: {  	[smem:$0x3FAA] =	sst s0  }
0x9: {  	[smem:$0x3FAB] =	sst s1  }
0xa: {  	[smem:$0x3FAC] =	sst s2  }
0xb: {  	[smem:$0x3FAD] =	sst s3  }
0xc: {  	[smem:$0x3FAE] =	sst s4  }
0xd: {  	[smem:$0x3FAF] =	sst s5  }
0xe: {  	[smem:$0x3FB0] =	sst s6  }
0xf: {  	[smem:$0x3FB1] =	sst s7  }
0x10: {  	[smem:$0x3FB2] =	sst s8  }
0x11: {  	[smem:$0x3FB3] =	sst s9;
	s0 =	simm.s32 @!p0 $0x0  }
0x12: {  	s1 =	sld [smem:$0x3F99];
	s0 =	simm.s32 @p0 $0x1  }
0x13: {  	[smem:$0x3FB4] =	sst s0;
	s0 =	simm.s32 @!p1 $0x0  }
0x14: {  	s2 =	sld [smem:$0x3F98];
	s0 =	simm.s32 @p1 $0x1  }
0x15: {  	[smem:$0x3FB5] =	sst s0;
	s0 =	simm.s32 @!p2 $0x0  }
0x16: {  	s3 =	sld [smem:$0x3FDB];
	s0 =	simm.s32 @p2 $0x1  }
0x17: {  	s4 =	simm.s32 $0x1BF5;
	[smem:$0x3FB7] =	sst s0  }
0x18: {  	s0 =	sld [smem:$0x3F9A];
	_ =	swait.ge [sflag:s4], $0x0  }
0x19: {  	s7 =	sld [smem:$0x3F9B]  }
0x1a: {  	s8 =	sadd.s32 $0xFFFFE003, lr  }
0x1b: {  	s9 =	sadd.s32 $0xFFFFFEF7, lr;
	s5 =	simm.s32 $0xFFFFFFFF;
	p2 =	slt.u32 s8, $0xFFFFF086  }
0x1c: {  	p1 =	slt.u32 s9, $0xF7A;
	s5 =	simm.s32 @!p2 $0x0  }
0x1d: {  	s5 =	simm.s32 @p1 $0x1;
	p0 =	seq.s32 s7, s2  }
0x1e: {  	s7 =	smul.u32 @!p0 $0xF7A, s2;
	p2 =	seq.s32 @!p0 s5, $0x0  }
0x1f: {  	s9 =	smul.u32 $0xF7A, s1;
	s8 =	simm.s32 @!p0 $0x1BF5;
	p2 =	por !p2, p0  }
0x20: {  	[sflag:s8] =	ssyncset.s32 @!p0 $0xFFFFF086;
	s6 =	sadd.s32 @!p0 s3, s7;
	s7 =	simm.s32 @!p0 $0x108  }
0x21: {  	s3 =	sadd.s32 s3, s9;
	s6 =	sadd.s32 @!p0 $0x88, s6;
	s7 =	simm.s32 @p2 $0x1082  }
0x22: {  	[simem:s7], [sflag:s8] =	dma.local @!p0 [hbm:s6], $0xF7A  }
0x23: {  	s9 =	sor.u32 $0xD0000000, s2;
	s6 =	simm.s32 $0x108;
	_ =	swait.ge @!p0 [sflag:s8], $0x0  }
0x24: {  	s3 =	sadd.s32 $0x88, s3;
	s6 =	simm.s32 @!p1 $0x1082;
	[sflag:s4] =	ssyncset.s32 $0xFFFFF086  }
0x25: {  	[simem:s6], [sflag:s4] =	dma.local [hbm:s3], $0xF7A  }
0x26: {  	[smem:$0x3F9B] =	sst s1;
	(tag) =	ssettag s2;
	_ =	strace s9  }
0x27: {  	s1 =	sld [smem:$0x3FAB]  }
0x28: {  	s2 =	sld [smem:$0x3FAC]  }
0x29: {  	s4 =	sld [smem:$0x3FAE]  }
0x2a: {  	p0 =	seq.s32 s5, $0x0;
	s5 =	sld [smem:$0x3FAF]  }
0x2b: {  	s6 =	sld [smem:$0x3FB0]  }
0x2c: {  	s7 =	sld [smem:$0x3FB1]  }
0x2d: {  	s3 =	simm.s32 $0x108;
	s8 =	sld [smem:$0x3FB2]  }
0x2e: {  	s3 =	simm.s32 @!p0 $0x1082;
	s9 =	sld [smem:$0x3FB3]  }
0x2f: {  	lr =	sadd.s32 s0, s3;
	s0 =	sld [smem:$0x3FAA]  }
0x30: {  	s3 =	sld [smem:$0x3FAD]  }
0x31: {  	[smem:$0x3FB6] =	sst s10  }
0x32: {  	s10 =	sld [smem:$0x3FB4];
	_ =	sdelay $0x3  }
0x33: {  	p0 =	seq.s32 s10, $0x1;
	s10 =	sld [smem:$0x3FB6];
	_ =	sdelay $0x3  }
0x34: {  	[smem:$0x3FB6] =	sst s10  }
0x35: {  	s10 =	sld [smem:$0x3FB5];
	_ =	sdelay $0x3  }
0x36: {  	p1 =	seq.s32 s10, $0x1;
	s10 =	sld [smem:$0x3FB6];
	_ =	sdelay $0x3  }
0x37: {  	[smem:$0x3FB6] =	sst s10  }
0x38: {  	s10 =	sld [smem:$0x3FB7]  }
0x39: {  	_ = 	snop;
	(pc) =	sbr.ind lr, $3  }
0x3a: {  	_ = 	snop  }
0x3b: {  	_ = 	snop  }
0x3c: {  	p2 =	seq.s32 s10, $0x1;
	s10 =	sld [smem:$0x3FB6]  }
0x3d: {  	_ =	shalt  }
0x3e: {  	_ =	shalt  }
0x3f: {  	_ =	shalt  }
0x40: {  	_ =	shalt  }
0x41: {  	_ =	shalt  }
0x42: {  	_ =	shalt  }
0x43: {  	_ =	shalt  }
0x44: {  	_ =	shalt  }
0x45: {  	_ =	shalt  }
0x46: {  	_ =	shalt  }
0x47: {  	_ =	shalt  }
0x48: {  	_ =	shalt  }
0x49: {  	_ =	shalt  }
0x4a: {  	_ =	shalt  }
0x4b: {  	_ =	shalt  }
0x4c: {  	_ =	shalt  }
0x4d: {  	_ =	shalt  }
0x4e: {  	_ =	shalt  }
0x4f: {  	_ =	shalt  }
0x50: {  	_ =	shalt  }
0x51: {  	_ =	shalt  }
0x52: {  	_ =	shalt  }
0x53: {  	_ =	shalt  }
0x54: {  	_ =	shalt  }
0x55: {  	_ =	shalt  }
0x56: {  	_ =	shalt  }
0x57: {  	_ =	shalt  }
0x58: {  	_ =	shalt  }
0x59: {  	_ =	shalt  }
0x5a: {  	_ =	shalt  }
0x5b: {  	_ =	shalt  }
0x5c: {  	_ =	shalt  }
0x5d: {  	_ =	shalt  }
0x5e: {  	_ =	shalt  }
0x5f: {  	_ =	shalt  }
0x60: {  	_ =	shalt  }
0x61: {  	_ =	shalt  }
0x62: {  	_ =	shalt  }
0x63: {  	_ =	shalt  }
0x64: {  	_ =	shalt  }
0x65: {  	_ =	shalt  }
0x66: {  	_ =	shalt  }
0x67: {  	_ =	shalt  }
0x68: {  	_ =	shalt  }
0x69: {  	_ =	shalt  }
0x6a: {  	_ =	shalt  }
0x6b: {  	_ =	shalt  }
0x6c: {  	_ =	shalt  }
0x6d: {  	_ =	shalt  }
0x6e: {  	_ =	shalt  }
0x6f: {  	_ =	shalt  }
0x70: {  	_ =	shalt  }
0x71: {  	_ =	shalt  }
0x72: {  	_ =	shalt  }
0x73: {  	_ =	shalt  }
0x74: {  	_ =	shalt  }
0x75: {  	_ =	shalt  }
0x76: {  	_ =	shalt  }
0x77: {  	_ =	shalt  }
0x78: {  	_ =	shalt  }
0x79: {  	_ =	shalt  }
0x7a: {  	_ =	shalt  }
0x7b: {  	_ =	shalt  }
0x7c: {  	_ =	shalt  }
0x7d: {  	_ =	shalt  }
0x7e: {  	_ =	shalt  }
0x7f: {  	_ =	shalt  }
0x80: {  	_ =	shalt  }
0x81: {  	_ =	shalt  }
0x82: {  	_ =	shalt  }
0x83: {  	_ =	shalt  }
0x84: {  	_ =	shalt  }
0x85: {  	_ =	shalt  }
0x86: {  	_ =	shalt  }
0x87: {  	_ =	shalt  }
.Lfunc_end0:
.L_simem_size_0:
called_computation_lowered:
.L_overlay_start_0:
0x88: {  	s2 =	sld [smem:$0x3FD9]  }
0x89: {  	s3 =	sld [smem:$0x3FFE];
	_ =	sdelay $0x1  }
0x8a: {  	s1 =	srdreg.scid  }
0x8b: {  	s0 =	sand.u32 $0x1, s1  }
0x8c: {  	s17 =	sshll.u32 s0, $0xA;
	s2 =	sadd.s32 s3, s2  }
0x8d: {  	s2 =	sadd.s32 s2, s17  }
0x8e: {  	[smem:$0x3FC2] =	sst s2  }
0x8f: {  	_ = 	snop  }
0x90: {  	s2 =	sld [smem:$0x3FD0];
	(tm) =	ssettm $0x1  }
0x91: {  	s18 =	sld [smem:$0x3FFB];
	_ =	sdelay $0x3  }
0x92: {  	_ =	strace s18  }
0x93: {  	s3 =	sld [smem:$0x3FFC];
	_ =	sdelay $0x3  }
0x94: {  	_ =	strace s3  }
0x95: {  	s3 =	sld [smem:$0x3FFD];
	_ =	sdelay $0x3  }
0x96: {  	_ =	strace s3  }
0x97: {  	_ =	strace $0x8FFFFFFF  }
0x98: {  	s19 =	sld [smem:$0x3FDB];
	_ =	sdelay $0x1  }
0x99: {  	s4 =	simm.s32 $_scs_section_size  }
0x9a: {  	s5 =	simm.s32 $_size__tile_overlayer_lowered;
	s6 =	simm.s32 $_tile_overlayer_lowered  }
0x9b: {  	s22 =	simm.s32 $0x1BFF;
	s21 =	sshll.u32 s6, $0x1;
	s3 =	sadd.s32 s4, s19  }
0x9c: {  	s7 =	simm.s32 $0x0;
	s20 =	sshll.u32 s5, $0x1;
	s5 =	sadd.s32 s21, s3  }
0x9d: {  	[timem:s7], [sflag:s22] =	dma.local [hbm:s5], s20  }
0x9e: {  	_ =	swait.ge [sflag:s22], s20  }
0x9f: {  	s4 =	ssub.s32 $0x0, s20;
	[sflag:s22] =	ssyncset.done $0x0  }
0xa0: {  	[sflag:s22] =	ssyncadd.s32 s4;
	_ =	sdelay $0x1  }
0xa1: {  	s23 =	simm.s32 $0x1B8B  }
0xa2: {  	_ =	swait.ge [sflag:s23], $0x1  }
0xa3: {  	[sflag:s23] =	ssyncset.done $0x0  }
0xa4: {  	s25 =	simm.s32 $0x1B8E;
	s24 =	sld [smem:$0x3FFE];
	[sflag:s23] =	ssyncadd.s32 $0xFFFFFFFF  }
0xa5: {  	s26 =	simm.s32 $execute0_lowered;
	[smem:$0x3FD2] =	sst s25  }
0xa6: {  	s5 =	sshll.u32 s26, $0x1;
	_ =	strace $0x80000046;
	[dreg:$0x1] =	wrdreg $0xFFFFFFFF  }
0xa7: {  	s28 =	simm.s32 $_size_execute0_lowered;
	s3 =	sadd.s32 s3, s5;
	[dreg:$0x0] =	wrdreg $0x0  }
0xa8: {  	s5 =	sshll.u32 s28, $0x1;
	[dreg:$0x2] =	wrdreg s3  }
0xa9: {  	[dreg:$0x3] =	wrdreg s5  }
0xaa: {  	[dreg:$0x4] =	wrdreg $0xC0  }
0xab: {  	_ =	task [dreg:s7], $0x5FFFF  }
0xac: {  	[dreg:$0x1] =	wrdreg $0xFFFFFFFF  }
0xad: {  	[dreg:$0x0] =	wrdreg $0x60  }
0xae: {  	[dreg:$0x2] =	wrdreg s24  }
0xaf: {  	[dreg:$0x3] =	wrdreg s2  }
0xb0: {  	[dreg:$0x4] =	wrdreg $0x68000  }
0xb1: {  	[dreg:$0x5] =	wrdreg $0x9  }
0xb2: {  	_ =	task.clear_ibuf [dreg:s7], $0x6FFFF;
	_ =	strace $0x90000046  }
0xb3: {  	s29 =	simm.s32 $0x9;
	_ =	strace $0x80000048  }
0xb4: {  	_ =	swait.ge [sflag:s29], $0x1  }
0xb5: {  	[sflag:s29] =	ssyncadd.s32 $0xFFFFFFFF  }
0xb6: {  	_ =	strace $0x90000048  }
0xb7: {  	_ =	sfence  }
0xb8: {  	s30 =	sld [smem:$0x0];
	_ =	sdelay $0x2  }
0xb9: {  	s31 =	sshll.u32 s1, $0xD;
	s1 =	sshrl.u32 s1, $0x2  }
0xba: {  	s3 =	sand.u32 $0x4000, s31;
	s1 =	sadd.s32 s1, s30  }
0xbb: {  	s0 =	sor.u32 s3, s0;
	s1 =	sshll.u32 s1, $0x11  }
0xbc: {  	s0 =	sor.u32 s1, s0  }
0xbd: {  	s0 =	sadd.s32 $0x8F2B, s0  }
0xbe: {  	[sflag:s0] =	ssyncadd.remote.s32 $0x1  }
0xbf: {  	_ =	sfence.sel $0xFFFF  }
0xc0: {  	[dreg:$0x0] =	wrdreg $0xFFFFFFFF;
	(pc) =	sbr.abs _section_cstart, $3  }
0xc1: {  	[dreg:$0x1] =	wrdreg $0xFFFFFFFF  }
0xc2: {  	_ =	task.clear_ibuf [dreg:s7], $0x2FFFF;
	_ =	strace $0x9FFFFFFF  }
0xc3: {  	(tm) =	ssettm $0x7FFFFFFF  }
tec
execute0_lowered:
.L_overlay_start_1:
0x0: {  	(tag) =	ssettag $0x1  }
0x1: {  	s4 =	rddreg [dreg:$0x0]  }
0x2: {  	s0 =	srdreg.scid;
	s6 =	rddreg [dreg:$0x1]  }
0x3: {  	s2 =	rddreg [dreg:$0x2];
	s1 =	stileid.u32  }
0x4: {  	s3 =	simm.s32 $0x0;
	s16 =	simm.s32 $0x1;
	s17 =	simm.s32 $0x0  }
0x5: {  	s5 =	sand.u32 $0x1, s0;
	s0 =	rddreg [dreg:$0x3];
	s8 =	smul.u32 $0x2700, s1  }
0x6: {  	[smem:$0x7FF] =	sst s3;
	s10 =	smul.u32 $0x4E000, s1;
	s11 =	sadd.s32 $0xCC00, s4  }
0x7: {  	s15 =	sadd.s32 $0x124800, s2;
	s31 =	sshll.u32 s1, $0x6;
	p0 =	sne.s32 s1, $0xF  }
0x8: {  	s7 =	sshll.u32 s5, $0x4;
	_ =	strace $0x80000047;
	s12 =	smul.u32 $0x27100, s5  }
0x9: {  	s9 =	ssub.s32 $0x2, s5;
	s13 =	smul.u32 $0x138800, s5;
	s7 =	sor.u32 s1, s7  }
0xa: {  	s28 =	sshrl.u32 s9, $0x1;
	s10 =	sshrl.u32 s10, $0x2;
	s5 =	sadd.s32 s6, s8  }
0xb: {  	s6 =	sadd.s32 $0x24900, s6;
	s7 =	smul.u32 $0x500, s7;
	s9 =	ssub.s32 s9, s28  }
0xc: {  	s14 =	sadd.s32 s10, s2;
	s29 =	sadd.s32 s8, s12;
	s30 =	sshrl.u32 s13, $0x3  }
0xd: {  	s10 =	simm.s32 $0x2;
	s13 =	sshrl.u32 @!p0 s15, $0x3;
	s15 =	simm.s32 $0x2800  }
0xe: {  	s8 =	sadd.s32 s11, s30;
	s9 =	smax.u32 s9, $0x1;
	s12 =	sshrl.u32 s14, $0x3  }
0xf: {  	s14 =	simm.s32 $0x7D;
	s7 =	sadd.s32 s7, s4;
	s8 =	sadd.s32 $0x24900, s8  }
0x10: {  	v0 =	vimm.f32 $1.000000000e+00;
	s4 =	sadd.s32 $0x2C00, s7;
	s7 =	sadd.s32 s11, s29;
	s11 =	sor.u32 $0x1C02, s31  }
.LBB2_1:
0x11: {  	s18 =	simm.s32 $0x200;
	s19 =	simm.s32 $0x0  }
.LBB2_2:
0x12: {  	p1 =	sne.s32 s18, $0xF800;
	[tilespmem:s19+$0x2800] =	vst v0;
	s19 =	smov.u32 s18;
	s18 =	sadd.s32 $0x200, s18  }
.Ltmp0:
0x13: {  	(pc) =	sbr.rel @p1 .LBB2_2-.Ltmp0, $2  }
0x14: {  	_ =	sdelay $0x2  }
0x15: {  	s19 =	sshra.s32 s19, $0x2  }
0x16: {  	[tilespmem:s19+$0x2800] =	vst v0  }
0x17: {  	[tilespmem:s3], [sflag:$0x2] =	stream.linear.gather [hbm4b:s4+s3], $0x2800, $0x38;
	[tilespmem:$0x8F10] =	vst v63  }
0x18: {  	_ =	swait.ge [sflag:s10], $0x2800  }
0x19: {  	[sflag:s10] =	ssyncset.done $0x0  }
0x1a: {  	[sflag:s10] =	ssyncadd.s32 $0xFFFFD800  }
0x1b: {  	[spmem:s12], [sflag:s11] =	dma.local [hbm:s5], $0x2700  }
0x1c: {  	_ =	swait.ge [sflag:s10], $0x2700  }
0x1d: {  	[sflag:s10] =	ssyncset.done $0x0  }
0x1e: {  	s18 =	simm.s32 @!p0 $0x2;
	[sflag:s10] =	ssyncadd.s32 $0xFFFFD900  }
0x1f: {  	[spmem:s13], [sflag:s11] =	dma.local @!p0 [hbm:s6], $0x2800  }
0x20: {  	_ =	swait.ge @!p0 [sflag:s18], $0x2800  }
0x21: {  	[sflag:s18] =	ssyncset.done @!p0 $0x0  }
0x22: {  	[sflag:s18] =	ssyncadd.s32 @!p0 $0xFFFFD800  }
0x23: {  	s18 =	simm.s32 $0x0;
	[bflag:$0x0] =	sbarrier.arrive $0xFFFF  }
.LBB2_4:
0x24: {  	p1 =	sne.s32 s18, $0x9E00  }
.Ltmp1:
0x25: {  	_ = 	snop;
	(pc) =	sbr.rel @p1 .LBB2_4-.Ltmp1, $3  }
0x26: {  	_ =	sdelay $0x1  }
0x27: {  	s19 =	sshra.s32 s18, $0x2;
	s18 =	sadd.s32 $0x200, s18  }
0x28: {  	[spmem:s2] =	stream.indirect.scatter.add.f32 [tilespmem:s15], [sflag:$0x1], $0x10, s19, s14, $0xb8;
	[tilespmem:$0x8F10] =	vst v63  }
0x29: {  	_ =	swait.ge [sflag:s16], $0x7D0  }
0x2a: {  	s18 =	simm.s32 $0x4F;
	[sflag:s16] =	ssyncset.done $0x0  }
.LBB2_6:
0x2b: {  	p1 =	sne.s32 s18, $0x1;
	s18 =	sadd.s32 $0xFFFFFFFF, s18;
	[sflag:s16] =	ssyncadd.s32 $0xFFFFF830  }
.Ltmp2:
0x2c: {  	(pc) =	sbr.rel @p1 .LBB2_6-.Ltmp2, $3  }
0x2d: {  	_ =	sdelay $0x1  }
0x2e: {  	_ =	swait.ge [sflag:s16], $0x7D0  }
0x2f: {  	[sflag:s16] =	ssyncset.done $0x0  }
0x30: {  	[sflag:s16] =	ssyncadd.s32 $0xFFFFF830  }
0x31: {  	[bflag:$0x0] =	sbarrier.arrive $0xFFFF  }
0x32: {  	[hbm:s7], [sflag:s11] =	dma.local [spmem:s12], $0x2700  }
0x33: {  	s17 =	sadd.s32 $0x1, s17;
	_ =	swait.ge [sflag:s10], $0x2700  }
0x34: {  	p1 =	sne.s32 s17, s9;
	[sflag:s10] =	ssyncset.done $0x0  }
.Ltmp3:
0x35: {  	s18 =	simm.s32 @!p0 $0x2;
	[sflag:s10] =	ssyncadd.s32 $0xFFFFD900;
	(pc) =	sbr.rel @p1 .LBB2_1-.Ltmp3, $4  }
0x36: {  	[hbm:s8], [sflag:s11] =	dma.local @!p0 [spmem:s13], $0x2800  }
0x37: {  	_ =	swait.ge @!p0 [sflag:s18], $0x2800  }
0x38: {  	[sflag:s18] =	ssyncset.done @!p0 $0x0  }
0x39: {  	[sflag:s18] =	ssyncadd.s32 @!p0 $0xFFFFD800  }
0x3a: {  	_ =	sfence.sel $0x180000  }
0x3b: {  	[bflag:$0x0] =	sbarrier.arrive $0xFFFF  }
0x3c: {  	p0 =	sne.s32 s1, $0x0;
	_ =	strace $0x90000047  }
0x3d: {  	s0 =	sadd.s32 @!p0 $0x100000, s0;
	[bflag:$0x2] =	sbarrier.arrive $0xFFFF  }
0x3e: {  	[sflag:s0] =	ssyncadd.tile.s32 @!p0 $0x1;
	_ =	shalt  }
.Lfunc_end2:
_tile_overlayer_lowered:
.L_overlay_start_2:
0x3f: {  	(tag) =	ssettag $0x2  }
0x40: {  	s0 =	rddreg [dreg:$0x0];
	s2 =	stileid.u32  }
0x41: {  	s1 =	rddreg [dreg:$0x1];
	p0 =	sne.s32 s2, $0x0  }
0x42: {  	s3 =	rddreg [dreg:$0x2];
	[bflag:$0x3] =	sbarrier.arrive $0xFFFF;
	s2 =	simm.s32 @!p0 $0x1C02  }
0x43: {  	[timem:s3], [sflag:s2] =	dma.local @!p0 [hbm:s0], s1  }
0x44: {  	s0 =	simm.s32 @!p0 $0x2  }
0x45: {  	_ =	swait.ge @!p0 [sflag:s0], s1  }
0x46: {  	s1 =	ssub.s32 @!p0 $0x0, s1;
	[sflag:s0] =	ssyncset.done @!p0 $0x0  }
0x47: {  	[sflag:s0] =	ssyncadd.s32 @!p0 s1  }
0x48: {  	[bflag:$0x3] =	sbarrier.arrive $0xFFFF  }
0x49: {  	_ =	shalt  }

</sc_bundles>
